<compile_context>
chip_gen: v7x
topology: tpu7x:2x2x1
jax: 0.10.2.dev20260603
libtpu: 0.0.44.dev20260713+nightly
codegen_flags: <defaults>
</compile_context>

<pallas_src>
import functools

import jax
import jax.numpy as jnp
from jax import lax
from jax.experimental import pallas as pl
from jax.experimental.pallas import tpu as pltpu
from jax.experimental.pallas import tpu_sc as plsc

N = 10000
E = 320000
R = 20
CH = 80
NS = 16
NC = 2
NW = NC * NS
EPW = E // NW
NCH = EPW // CH
RCH = N // CH


def _sc_aggregate(proj_flat, gidx2d, dst2d, d):
    mesh = plsc.VectorSubcoreMesh(
        core_axis_name="c", subcore_axis_name="s", num_cores=NC, num_subcores=NS
    )
    zeros_blk = jnp.zeros((CH, d), jnp.float32)

    @functools.partial(
        pl.kernel,
        out_type=jax.ShapeDtypeStruct((2, N, d), jnp.float32),
        mesh=mesh,
        scratch_types=[
            pltpu.VMEM((NCH, CH), jnp.int32),
            pltpu.VMEM((NCH, CH), jnp.int32),
            pltpu.VMEM((CH, d), jnp.float32),
            pltpu.VMEM_SHARED((N, d), jnp.float32),
            pltpu.SemaphoreType.DMA,
        ],
        compiler_params=pltpu.CompilerParams(use_tc_tiling_on_sc=False),
    )
    def k(proj_h, gidx_h, dst_h, zeros_h, out_h, gidx_v, dst_v, rows_v, agg_s, sem):
        c = lax.axis_index("c")
        s = lax.axis_index("s")
        w = c * NS + s
        pltpu.sync_copy(gidx_h.at[w], gidx_v)
        pltpu.sync_copy(dst_h.at[w], dst_v)

        def zbody(t, carry):
            j = s + t * NS

            @pl.when(j < RCH)
            def _():
                pltpu.sync_copy(zeros_h, agg_s.at[pl.ds(j * CH, CH)])

            return carry

        lax.fori_loop(0, (RCH + NS - 1) // NS, zbody, 0)
        plsc.subcore_barrier()

        def body(t, carry):
            pltpu.async_copy(proj_h.at[gidx_v.at[t]], rows_v, sem).wait()
            pltpu.sync_copy(rows_v, agg_s.at[dst_v.at[t]], add=True)
            return carry

        lax.fori_loop(0, NCH, body, 0)
        plsc.subcore_barrier()

        def dbody(t, carry):
            j = s + t * NS

            @pl.when(j < RCH)
            def _():
                pltpu.sync_copy(agg_s.at[pl.ds(j * CH, CH)], rows_v)
                pltpu.sync_copy(rows_v, out_h.at[c, pl.ds(j * CH, CH)])

            return carry

        lax.fori_loop(0, (RCH + NS - 1) // NS, dbody, 0)

    return k(proj_flat, gidx2d, dst2d, zeros_blk)


def _tc_proj(x, W2d, Wloop, b, d_in, d_out):
    BN = 1000

    def body(x_ref, w_ref, wl_ref, b_ref, proj_ref, loop_ref):
        xb = x_ref[...]
        proj_ref[...] = jnp.dot(xb, w_ref[...], preferred_element_type=jnp.float32)
        loop_ref[...] = (
            jnp.dot(xb, wl_ref[...], preferred_element_type=jnp.float32) + b_ref[...]
        )

    return pl.pallas_call(
        body,
        grid=(N // BN,),
        in_specs=[
            pl.BlockSpec((BN, d_in), lambda i: (i, 0)),
            pl.BlockSpec((d_in, R * d_out), lambda i: (0, 0)),
            pl.BlockSpec((d_in, d_out), lambda i: (0, 0)),
            pl.BlockSpec((1, d_out), lambda i: (0, 0)),
        ],
        out_specs=[
            pl.BlockSpec((BN, R * d_out), lambda i: (i, 0)),
            pl.BlockSpec((BN, d_out), lambda i: (i, 0)),
        ],
        out_shape=[
            jax.ShapeDtypeStruct((N, R * d_out), jnp.float32),
            jax.ShapeDtypeStruct((N, d_out), jnp.float32),
        ],
    )(x, W2d, Wloop, b.reshape(1, d_out))


def _tc_combine(parts, loop, relu, d):
    BN = 1000

    def body(p_ref, l_ref, o_ref):
        h = p_ref[0] + p_ref[1] + l_ref[...]
        if relu:
            h = jnp.maximum(h, 0.0)
        o_ref[...] = h

    return pl.pallas_call(
        body,
        grid=(N // BN,),
        in_specs=[
            pl.BlockSpec((2, BN, d), lambda i: (0, i, 0)),
            pl.BlockSpec((BN, d), lambda i: (i, 0)),
        ],
        out_specs=pl.BlockSpec((BN, d), lambda i: (i, 0)),
        out_shape=jax.ShapeDtypeStruct((N, d), jnp.float32),
    )(parts, loop)


def kernel(x, edge_index, edge_type, W_emb, W_emb_loop, b_emb,
           W1, W1_loop, b1, W2, W2_loop, b2):
    src = edge_index[0]
    dst = edge_index[1]
    gidx2d = (src * R + edge_type).astype(jnp.int32).reshape(NW, NCH, CH)
    dst2d = dst.astype(jnp.int32).reshape(NW, NCH, CH)

    h = x
    for Wr, Wl, b, relu in (
        (W_emb, W_emb_loop, b_emb, True),
        (W1, W1_loop, b1, True),
        (W2, W2_loop, b2, False),
    ):
        d_in, d_out = Wr.shape[1], Wr.shape[2]
        W2d = Wr.transpose(1, 0, 2).reshape(d_in, R * d_out)
        proj, loop = _tc_proj(h, W2d, Wl, b, d_in, d_out)
        parts = _sc_aggregate(proj.reshape(N * R, d_out), gidx2d, dst2d, d_out)
        h = _tc_combine(parts, loop, relu, d_out)
    return h

# --- scband reference (transcript-rebuilt; emitter-appended) ---
"""Pipeline reference for scband-classifier-54692113547267 (READ-ONLY COPY).

The authoritative reference and input builder live on the scoring server;
editing this copy changes nothing except your own understanding.
"""

import jax, jax.numpy as jnp
import numpy as np

N = 10000
E = 320000
D_FEAT = 128
D_EMB = 128
NUM_RELS = 20
CLASSIF_DIMS = (64, 32)


def _rgcn_layer(x, src, dst, etype, W_rel, W_loop, b, activation):
    # Per-relation node projection (equivalent to per-edge x[src] @ W[etype],
    # but projects nodes once per relation then gathers -> SparseCore-friendly).
    proj = jnp.einsum('ni,rio->nro', x, W_rel)          # [N, R, d_out]
    msg = proj[src, etype]                               # gather [E, d_out]
    agg = jax.ops.segment_sum(msg, dst, num_segments=x.shape[0])  # scatter-add
    h = agg + x @ W_loop + b                             # self-loop + bias
    if activation:
        h = jax.nn.relu(h)
    return h


def setup_inputs(seed: int = 0) -> dict:
    key = jax.random.key(seed)
    ks = jax.random.split(key, 12)
    s = 0.05
    x = jax.random.normal(ks[0], (N, D_FEAT), dtype=jnp.float32)
    edge_index = jax.random.randint(ks[1], (2, E), 0, N, dtype=jnp.int32)
    edge_type = jax.random.randint(ks[2], (E,), 0, NUM_RELS, dtype=jnp.int32)
    # Embedder: one RelGraphConv d_feat -> d_emb with relu
    W_emb = jax.random.normal(ks[3], (NUM_RELS, D_FEAT, D_EMB), dtype=jnp.float32) * s
    W_emb_loop = jax.random.normal(ks[4], (D_FEAT, D_EMB), dtype=jnp.float32) * s
    b_emb = jnp.zeros((D_EMB,), dtype=jnp.float32)
    # Classifier i2h: RelGraphConv d_emb -> 64 with relu
    W1 = jax.random.normal(ks[5], (NUM_RELS, D_EMB, CLASSIF_DIMS[0]), dtype=jnp.float32) * s
    W1_loop = jax.random.normal(ks[6], (D_EMB, CLASSIF_DIMS[0]), dtype=jnp.float32) * s
    b1 = jnp.zeros((CLASSIF_DIMS[0],), dtype=jnp.float32)
    # Classifier h2o (conv_output=True): RelGraphConv 64 -> 32, no activation
    W2 = jax.random.normal(ks[7], (NUM_RELS, CLASSIF_DIMS[0], CLASSIF_DIMS[1]), dtype=jnp.float32) * s
    W2_loop = jax.random.normal(ks[8], (CLASSIF_DIMS[0], CLASSIF_DIMS[1]), dtype=jnp.float32) * s
    b2 = jnp.zeros((CLASSIF_DIMS[1],), dtype=jnp.float32)
    return {
        'x': x, 'edge_index': edge_index, 'edge_type': edge_type,
        'W_emb': W_emb, 'W_emb_loop': W_emb_loop, 'b_emb': b_emb,
        'W1': W1, 'W1_loop': W1_loop, 'b1': b1,
        'W2': W2, 'W2_loop': W2_loop, 'b2': b2,
    }


def reference(x, edge_index, edge_type, W_emb, W_emb_loop, b_emb, W1, W1_loop, b1, W2, W2_loop, b2):
    src = edge_index[0]
    dst = edge_index[1]
    # h = embedder(g)
    h = _rgcn_layer(x, src, dst, edge_type, W_emb, W_emb_loop, b_emb, True)
    # classif_layers[0] = i2h RelGraphConv with relu
    h = _rgcn_layer(h, src, dst, edge_type, W1, W1_loop, b1, True)
    # classif_layers[-1] = h2o RelGraphConv, activation=None (conv_output=True)
    h = _rgcn_layer(h, src, dst, edge_type, W2, W2_loop, b2, False)
    return h

if __name__ == "__main__":
    import jax
    _d = setup_inputs()
    print(jax.jit(kernel)(*tuple(_d.values())))

</pallas_src>

<mosaic_0001>
#map = affine_map<(d0, d1) -> (0, 0)>
#map1 = affine_map<(d0, d1) -> (0, 0, 0)>
module attributes {stable_mosaic.version = 14 : i64} {
  func.func @k(%arg0: i32, %arg1: i32, %arg2: memref<200000x64xf32, #tpu.memory_space<hbm>>, %arg3: memref<32x125x80xi32, #tpu.memory_space<hbm>>, %arg4: memref<32x125x80xi32, #tpu.memory_space<hbm>>, %arg5: memref<80x64xf32, #tpu.memory_space<hbm>>, %arg6: memref<2x10000x64xf32, #tpu.memory_space<hbm>>, %arg7: memref<125x80xi32, #tpu.memory_space<vmem>>, %arg8: memref<125x80xi32, #tpu.memory_space<vmem>>, %arg9: memref<80x64xf32, #tpu.memory_space<vmem>>, %arg10: memref<10000x64xf32, #tpu.memory_space<vmem_shared>>, %arg11: memref<!tpu.dma_semaphore, #tpu.memory_space<semaphore_mem>>) attributes {dimension_semantics = [#tpu.dimension_semantics<core_parallel>, #tpu.dimension_semantics<subcore_parallel>], iteration_bounds = array<i64: 2, 16>, scalar_prefetch = 0 : i64, scratch_operands = 5 : i64, tpu.core_type = #tpu.core_type<sc_vector_subcore>, window_params = [{transform_indices = #map}, {transform_indices = #map1}, {transform_indices = #map1}, {transform_indices = #map}, {transform_indices = #map1}]} {
    %mul3A = arith.constant 16 : i32
    %mul3A_0 = arith.muli %arg0, %mul3A : i32
    %add3A = arith.addi %mul3A_0, %arg1 : i32
    "tpu.region"() ({
      %run_scoped3A = tpu.sem_alloc : memref<!tpu.dma_semaphore, #tpu.memory_space<semaphore_mem>>
      %dma_start3A = arith.constant 0 : i32
      %dma_start3A_19 = arith.constant 0 : i32
      %dma_start3A_20 = tpu.memref_slice %arg3[%add3A, %dma_start3A, %dma_start3A_19] : memref<32x125x80xi32, #tpu.memory_space<hbm>> -> memref<1x125x80xi32, #tpu.memory_space<hbm>>
      %dma_start3A_21 = tpu.memref_squeeze %dma_start3A_20 : memref<1x125x80xi32, #tpu.memory_space<hbm>> -> memref<125x80xi32, #tpu.memory_space<hbm>>
      %dma_start3A_22 = arith.constant 0 : i32
      %dma_start3A_23 = arith.constant 0 : i32
      %dma_start3A_24 = tpu.memref_slice %arg3[%add3A, %dma_start3A_22, %dma_start3A_23] : memref<32x125x80xi32, #tpu.memory_space<hbm>> -> memref<1x125x80xi32, #tpu.memory_space<hbm>>
      %dma_start3A_25 = tpu.memref_squeeze %dma_start3A_24 : memref<1x125x80xi32, #tpu.memory_space<hbm>> -> memref<125x80xi32, #tpu.memory_space<hbm>>
      tpu.enqueue_dma source(%dma_start3A_25 : memref<125x80xi32, #tpu.memory_space<hbm>>) target(%arg7 : memref<125x80xi32, #tpu.memory_space<vmem>>) target_semaphore(%run_scoped3A : memref<!tpu.dma_semaphore, #tpu.memory_space<semaphore_mem>>)
      %dma_wait3A = arith.constant 0 : i32
      %dma_wait3A_26 = arith.constant 0 : i32
      %dma_wait3A_27 = tpu.memref_slice %arg3[%add3A, %dma_wait3A, %dma_wait3A_26] : memref<32x125x80xi32, #tpu.memory_space<hbm>> -> memref<1x125x80xi32, #tpu.memory_space<hbm>>
      %dma_wait3A_28 = tpu.memref_squeeze %dma_wait3A_27 : memref<1x125x80xi32, #tpu.memory_space<hbm>> -> memref<125x80xi32, #tpu.memory_space<hbm>>
      %dma_wait3A_29 = arith.constant 0 : i32
      %dma_wait3A_30 = arith.constant 0 : i32
      %dma_wait3A_31 = tpu.memref_slice %arg3[%add3A, %dma_wait3A_29, %dma_wait3A_30] : memref<32x125x80xi32, #tpu.memory_space<hbm>> -> memref<1x125x80xi32, #tpu.memory_space<hbm>>
      %dma_wait3A_32 = tpu.memref_squeeze %dma_wait3A_31 : memref<1x125x80xi32, #tpu.memory_space<hbm>> -> memref<125x80xi32, #tpu.memory_space<hbm>>
      tpu.wait_dma2 semaphore(%run_scoped3A : memref<!tpu.dma_semaphore, #tpu.memory_space<semaphore_mem>>) src(%dma_wait3A_32 : memref<125x80xi32, #tpu.memory_space<hbm>>) dst(%arg7 : memref<125x80xi32, #tpu.memory_space<vmem>>)
      tpu.yield
    }) : () -> ()
    "tpu.region"() ({
      %run_scoped3A = tpu.sem_alloc : memref<!tpu.dma_semaphore, #tpu.memory_space<semaphore_mem>>
      %dma_start3A = arith.constant 0 : i32
      %dma_start3A_19 = arith.constant 0 : i32
      %dma_start3A_20 = tpu.memref_slice %arg4[%add3A, %dma_start3A, %dma_start3A_19] : memref<32x125x80xi32, #tpu.memory_space<hbm>> -> memref<1x125x80xi32, #tpu.memory_space<hbm>>
      %dma_start3A_21 = tpu.memref_squeeze %dma_start3A_20 : memref<1x125x80xi32, #tpu.memory_space<hbm>> -> memref<125x80xi32, #tpu.memory_space<hbm>>
      %dma_start3A_22 = arith.constant 0 : i32
      %dma_start3A_23 = arith.constant 0 : i32
      %dma_start3A_24 = tpu.memref_slice %arg4[%add3A, %dma_start3A_22, %dma_start3A_23] : memref<32x125x80xi32, #tpu.memory_space<hbm>> -> memref<1x125x80xi32, #tpu.memory_space<hbm>>
      %dma_start3A_25 = tpu.memref_squeeze %dma_start3A_24 : memref<1x125x80xi32, #tpu.memory_space<hbm>> -> memref<125x80xi32, #tpu.memory_space<hbm>>
      tpu.enqueue_dma source(%dma_start3A_25 : memref<125x80xi32, #tpu.memory_space<hbm>>) target(%arg8 : memref<125x80xi32, #tpu.memory_space<vmem>>) target_semaphore(%run_scoped3A : memref<!tpu.dma_semaphore, #tpu.memory_space<semaphore_mem>>)
      %dma_wait3A = arith.constant 0 : i32
      %dma_wait3A_26 = arith.constant 0 : i32
      %dma_wait3A_27 = tpu.memref_slice %arg4[%add3A, %dma_wait3A, %dma_wait3A_26] : memref<32x125x80xi32, #tpu.memory_space<hbm>> -> memref<1x125x80xi32, #tpu.memory_space<hbm>>
      %dma_wait3A_28 = tpu.memref_squeeze %dma_wait3A_27 : memref<1x125x80xi32, #tpu.memory_space<hbm>> -> memref<125x80xi32, #tpu.memory_space<hbm>>
      %dma_wait3A_29 = arith.constant 0 : i32
      %dma_wait3A_30 = arith.constant 0 : i32
      %dma_wait3A_31 = tpu.memref_slice %arg4[%add3A, %dma_wait3A_29, %dma_wait3A_30] : memref<32x125x80xi32, #tpu.memory_space<hbm>> -> memref<1x125x80xi32, #tpu.memory_space<hbm>>
      %dma_wait3A_32 = tpu.memref_squeeze %dma_wait3A_31 : memref<1x125x80xi32, #tpu.memory_space<hbm>> -> memref<125x80xi32, #tpu.memory_space<hbm>>
      tpu.wait_dma2 semaphore(%run_scoped3A : memref<!tpu.dma_semaphore, #tpu.memory_space<semaphore_mem>>) src(%dma_wait3A_32 : memref<125x80xi32, #tpu.memory_space<hbm>>) dst(%arg8 : memref<125x80xi32, #tpu.memory_space<vmem>>)
      tpu.yield
    }) : () -> ()
    %scan3A = arith.constant 0 : i32
    %scan3A_1 = arith.constant 0 : i32
    %scan3A_2 = arith.constant 8 : i32
    %scan3A_3 = arith.addi %scan3A_1, %scan3A_2 : i32
    %scan3A_4 = arith.constant 1 : i32
    scf.for %scan3A_19 = %scan3A_1 to %scan3A_3 step %scan3A_4  : i32 {
      %mul3A_20 = arith.constant 16 : i32
      %mul3A_21 = arith.muli %scan3A_19, %mul3A_20 : i32
      %add3A_22 = arith.addi %arg1, %mul3A_21 : i32
      %lt3A = arith.constant 125 : i32
      %lt3A_23 = arith.cmpi slt, %add3A_22, %lt3A : i32
      %convert_element_type3A = arith.extui %lt3A_23 : i1 to i32
      %cond3A = arith.constant 0 : i32
      %cond3A_24 = arith.cmpi ne, %convert_element_type3A, %cond3A : i32
      scf.if %cond3A_24 {
        %mul3A_25 = arith.constant 80 : i32
        %mul3A_26 = arith.muli %add3A_22, %mul3A_25 : i32
        "tpu.region"() ({
          %run_scoped3A = tpu.sem_alloc : memref<!tpu.dma_semaphore, #tpu.memory_space<semaphore_mem>>
          %dma_start3A = arith.constant 0 : i32
          %dma_start3A_27 = tpu.memref_slice %arg10[%mul3A_26, %dma_start3A] : memref<10000x64xf32, #tpu.memory_space<vmem_shared>> -> memref<80x64xf32, #tpu.memory_space<vmem_shared>>
          tpu.enqueue_dma source(%arg5 : memref<80x64xf32, #tpu.memory_space<hbm>>) target(%dma_start3A_27 : memref<80x64xf32, #tpu.memory_space<vmem_shared>>) target_semaphore(%run_scoped3A : memref<!tpu.dma_semaphore, #tpu.memory_space<semaphore_mem>>)
          %dma_wait3A = arith.constant 0 : i32
          %dma_wait3A_28 = tpu.memref_slice %arg10[%mul3A_26, %dma_wait3A] : memref<10000x64xf32, #tpu.memory_space<vmem_shared>> -> memref<80x64xf32, #tpu.memory_space<vmem_shared>>
          tpu.wait_dma2 semaphore(%run_scoped3A : memref<!tpu.dma_semaphore, #tpu.memory_space<semaphore_mem>>) src(%arg5 : memref<80x64xf32, #tpu.memory_space<hbm>>) dst(%dma_wait3A_28 : memref<80x64xf32, #tpu.memory_space<vmem_shared>>)
          tpu.yield
        }) : () -> ()
      } else {
      }
    }
    %scan3A_5 = arith.constant 8 : i32
    %barrier3A = arith.constant 0 : index
    tpu.barrier barrier_id(%barrier3A)
    %scan3A_6 = arith.constant 0 : i32
    %scan3A_7 = arith.constant 0 : i32
    %scan3A_8 = arith.constant 125 : i32
    %scan3A_9 = arith.addi %scan3A_7, %scan3A_8 : i32
    %scan3A_10 = arith.constant 1 : i32
    scf.for %scan3A_19 = %scan3A_7 to %scan3A_9 step %scan3A_10  : i32 {
      %dma_start3A = arith.constant 0 : i32
      %dma_start3A_20 = tpu.memref_slice %arg7[%scan3A_19, %dma_start3A] : memref<125x80xi32, #tpu.memory_space<vmem>> -> memref<1x80xi32, #tpu.memory_space<vmem>>
      %dma_start3A_21 = tpu.memref_squeeze %dma_start3A_20 : memref<1x80xi32, #tpu.memory_space<vmem>> -> memref<80xi32, #tpu.memory_space<vmem>>
      %dma_start3A_22 = arith.constant 0 : i32
      %dma_start3A_23 = arith.constant 0 : i32
      %dma_start3A_24 = tpu.memref_slice %arg2[%dma_start3A_22, %dma_start3A_23] : memref<200000x64xf32, #tpu.memory_space<hbm>> -> memref<200000x64xf32, #tpu.memory_space<hbm>>
      tpu.enqueue_indirect_dma source(%dma_start3A_24 : memref<200000x64xf32, #tpu.memory_space<hbm>>) target(%arg9 : memref<80x64xf32, #tpu.memory_space<vmem>>) offsets(%dma_start3A_21 : memref<80xi32, #tpu.memory_space<vmem>>) semaphore(%arg11 : memref<!tpu.dma_semaphore, #tpu.memory_space<semaphore_mem>>)
      %dma_wait3A = arith.constant 0 : i32
      %dma_wait3A_25 = tpu.memref_slice %arg7[%scan3A_19, %dma_wait3A] : memref<125x80xi32, #tpu.memory_space<vmem>> -> memref<1x80xi32, #tpu.memory_space<vmem>>
      %dma_wait3A_26 = tpu.memref_squeeze %dma_wait3A_25 : memref<1x80xi32, #tpu.memory_space<vmem>> -> memref<80xi32, #tpu.memory_space<vmem>>
      %dma_wait3A_27 = arith.constant 0 : i32
      %dma_wait3A_28 = arith.constant 0 : i32
      %dma_wait3A_29 = tpu.memref_slice %arg2[%dma_wait3A_27, %dma_wait3A_28] : memref<200000x64xf32, #tpu.memory_space<hbm>> -> memref<200000x64xf32, #tpu.memory_space<hbm>>
      tpu.wait_indirect_dma semaphore(%arg11 : memref<!tpu.dma_semaphore, #tpu.memory_space<semaphore_mem>>) src(%dma_wait3A_29 : memref<200000x64xf32, #tpu.memory_space<hbm>>) dst(%arg9 : memref<80x64xf32, #tpu.memory_space<vmem>>)
      "tpu.region"() ({
        %run_scoped3A = tpu.sem_alloc : memref<!tpu.dma_semaphore, #tpu.memory_space<semaphore_mem>>
        %dma_start3A_30 = arith.constant 0 : i32
        %dma_start3A_31 = tpu.memref_slice %arg8[%scan3A_19, %dma_start3A_30] : memref<125x80xi32, #tpu.memory_space<vmem>> -> memref<1x80xi32, #tpu.memory_space<vmem>>
        %dma_start3A_32 = tpu.memref_squeeze %dma_start3A_31 : memref<1x80xi32, #tpu.memory_space<vmem>> -> memref<80xi32, #tpu.memory_space<vmem>>
        %dma_start3A_33 = arith.constant 0 : i32
        %dma_start3A_34 = arith.constant 0 : i32
        %dma_start3A_35 = tpu.memref_slice %arg10[%dma_start3A_33, %dma_start3A_34] : memref<10000x64xf32, #tpu.memory_space<vmem_shared>> -> memref<10000x64xf32, #tpu.memory_space<vmem_shared>>
        tpu.enqueue_indirect_dma source(%arg9 : memref<80x64xf32, #tpu.memory_space<vmem>>) target(%dma_start3A_35 : memref<10000x64xf32, #tpu.memory_space<vmem_shared>>) offsets(%dma_start3A_32 : memref<80xi32, #tpu.memory_space<vmem>>) semaphore(%run_scoped3A : memref<!tpu.dma_semaphore, #tpu.memory_space<semaphore_mem>>) {add = true}
        %dma_wait3A_36 = arith.constant 0 : i32
        %dma_wait3A_37 = tpu.memref_slice %arg8[%scan3A_19, %dma_wait3A_36] : memref<125x80xi32, #tpu.memory_space<vmem>> -> memref<1x80xi32, #tpu.memory_space<vmem>>
        %dma_wait3A_38 = tpu.memref_squeeze %dma_wait3A_37 : memref<1x80xi32, #tpu.memory_space<vmem>> -> memref<80xi32, #tpu.memory_space<vmem>>
        %dma_wait3A_39 = arith.constant 0 : i32
        %dma_wait3A_40 = arith.constant 0 : i32
        %dma_wait3A_41 = tpu.memref_slice %arg10[%dma_wait3A_39, %dma_wait3A_40] : memref<10000x64xf32, #tpu.memory_space<vmem_shared>> -> memref<10000x64xf32, #tpu.memory_space<vmem_shared>>
        tpu.wait_indirect_dma semaphore(%run_scoped3A : memref<!tpu.dma_semaphore, #tpu.memory_space<semaphore_mem>>) src(%arg9 : memref<80x64xf32, #tpu.memory_space<vmem>>) dst(%dma_wait3A_41 : memref<10000x64xf32, #tpu.memory_space<vmem_shared>>)
        tpu.yield
      }) : () -> ()
    }
    %scan3A_11 = arith.constant 125 : i32
    %barrier3A_12 = arith.constant 0 : index
    tpu.barrier barrier_id(%barrier3A_12)
    %scan3A_13 = arith.constant 0 : i32
    %scan3A_14 = arith.constant 0 : i32
    %scan3A_15 = arith.constant 8 : i32
    %scan3A_16 = arith.addi %scan3A_14, %scan3A_15 : i32
    %scan3A_17 = arith.constant 1 : i32
    scf.for %scan3A_19 = %scan3A_14 to %scan3A_16 step %scan3A_17  : i32 {
      %mul3A_20 = arith.constant 16 : i32
      %mul3A_21 = arith.muli %scan3A_19, %mul3A_20 : i32
      %add3A_22 = arith.addi %arg1, %mul3A_21 : i32
      %lt3A = arith.constant 125 : i32
      %lt3A_23 = arith.cmpi slt, %add3A_22, %lt3A : i32
      %convert_element_type3A = arith.extui %lt3A_23 : i1 to i32
      %cond3A = arith.constant 0 : i32
      %cond3A_24 = arith.cmpi ne, %convert_element_type3A, %cond3A : i32
      scf.if %cond3A_24 {
        %mul3A_25 = arith.constant 80 : i32
        %mul3A_26 = arith.muli %add3A_22, %mul3A_25 : i32
        "tpu.region"() ({
          %run_scoped3A = tpu.sem_alloc : memref<!tpu.dma_semaphore, #tpu.memory_space<semaphore_mem>>
          %dma_start3A = arith.constant 0 : i32
          %dma_start3A_29 = tpu.memref_slice %arg10[%mul3A_26, %dma_start3A] : memref<10000x64xf32, #tpu.memory_space<vmem_shared>> -> memref<80x64xf32, #tpu.memory_space<vmem_shared>>
          %dma_start3A_30 = arith.constant 0 : i32
          %dma_start3A_31 = tpu.memref_slice %arg10[%mul3A_26, %dma_start3A_30] : memref<10000x64xf32, #tpu.memory_space<vmem_shared>> -> memref<80x64xf32, #tpu.memory_space<vmem_shared>>
          tpu.enqueue_dma source(%dma_start3A_31 : memref<80x64xf32, #tpu.memory_space<vmem_shared>>) target(%arg9 : memref<80x64xf32, #tpu.memory_space<vmem>>) target_semaphore(%run_scoped3A : memref<!tpu.dma_semaphore, #tpu.memory_space<semaphore_mem>>)
          %dma_wait3A = arith.constant 0 : i32
          %dma_wait3A_32 = tpu.memref_slice %arg10[%mul3A_26, %dma_wait3A] : memref<10000x64xf32, #tpu.memory_space<vmem_shared>> -> memref<80x64xf32, #tpu.memory_space<vmem_shared>>
          %dma_wait3A_33 = arith.constant 0 : i32
          %dma_wait3A_34 = tpu.memref_slice %arg10[%mul3A_26, %dma_wait3A_33] : memref<10000x64xf32, #tpu.memory_space<vmem_shared>> -> memref<80x64xf32, #tpu.memory_space<vmem_shared>>
          tpu.wait_dma2 semaphore(%run_scoped3A : memref<!tpu.dma_semaphore, #tpu.memory_space<semaphore_mem>>) src(%dma_wait3A_34 : memref<80x64xf32, #tpu.memory_space<vmem_shared>>) dst(%arg9 : memref<80x64xf32, #tpu.memory_space<vmem>>)
          tpu.yield
        }) : () -> ()
        %mul3A_27 = arith.constant 80 : i32
        %mul3A_28 = arith.muli %add3A_22, %mul3A_27 : i32
        "tpu.region"() ({
          %run_scoped3A = tpu.sem_alloc : memref<!tpu.dma_semaphore, #tpu.memory_space<semaphore_mem>>
          %dma_start3A = arith.constant 0 : i32
          %dma_start3A_29 = tpu.memref_slice %arg6[%arg0, %mul3A_28, %dma_start3A] : memref<2x10000x64xf32, #tpu.memory_space<hbm>> -> memref<1x80x64xf32, #tpu.memory_space<hbm>>
          %dma_start3A_30 = tpu.memref_squeeze %dma_start3A_29 : memref<1x80x64xf32, #tpu.memory_space<hbm>> -> memref<80x64xf32, #tpu.memory_space<hbm>>
          %dma_start3A_31 = arith.constant 0 : i32
          %dma_start3A_32 = tpu.memref_slice %arg6[%arg0, %mul3A_28, %dma_start3A_31] : memref<2x10000x64xf32, #tpu.memory_space<hbm>> -> memref<1x80x64xf32, #tpu.memory_space<hbm>>
          %dma_start3A_33 = tpu.memref_squeeze %dma_start3A_32 : memref<1x80x64xf32, #tpu.memory_space<hbm>> -> memref<80x64xf32, #tpu.memory_space<hbm>>
          tpu.enqueue_dma source(%arg9 : memref<80x64xf32, #tpu.memory_space<vmem>>) target(%dma_start3A_33 : memref<80x64xf32, #tpu.memory_space<hbm>>) target_semaphore(%run_scoped3A : memref<!tpu.dma_semaphore, #tpu.memory_space<semaphore_mem>>)
          %dma_wait3A = arith.constant 0 : i32
          %dma_wait3A_34 = tpu.memref_slice %arg6[%arg0, %mul3A_28, %dma_wait3A] : memref<2x10000x64xf32, #tpu.memory_space<hbm>> -> memref<1x80x64xf32, #tpu.memory_space<hbm>>
          %dma_wait3A_35 = tpu.memref_squeeze %dma_wait3A_34 : memref<1x80x64xf32, #tpu.memory_space<hbm>> -> memref<80x64xf32, #tpu.memory_space<hbm>>
          %dma_wait3A_36 = arith.constant 0 : i32
          %dma_wait3A_37 = tpu.memref_slice %arg6[%arg0, %mul3A_28, %dma_wait3A_36] : memref<2x10000x64xf32, #tpu.memory_space<hbm>> -> memref<1x80x64xf32, #tpu.memory_space<hbm>>
          %dma_wait3A_38 = tpu.memref_squeeze %dma_wait3A_37 : memref<1x80x64xf32, #tpu.memory_space<hbm>> -> memref<80x64xf32, #tpu.memory_space<hbm>>
          tpu.wait_dma2 semaphore(%run_scoped3A : memref<!tpu.dma_semaphore, #tpu.memory_space<semaphore_mem>>) src(%arg9 : memref<80x64xf32, #tpu.memory_space<vmem>>) dst(%dma_wait3A_38 : memref<80x64xf32, #tpu.memory_space<hbm>>)
          tpu.yield
        }) : () -> ()
      } else {
      }
    }
    %scan3A_18 = arith.constant 8 : i32
    return
  }
}

#map = affine_map<(d0, d1) -> (0, 0)>
#map1 = affine_map<(d0, d1) -> (0, 0, 0)>
module attributes {stable_mosaic.version = 14 : i64} {
  func.func @k(%arg0: i32, %arg1: i32, %arg2: memref<200000x128xf32, #tpu.memory_space<hbm>>, %arg3: memref<32x125x80xi32, #tpu.memory_space<hbm>>, %arg4: memref<32x125x80xi32, #tpu.memory_space<hbm>>, %arg5: memref<80x128xf32, #tpu.memory_space<hbm>>, %arg6: memref<2x10000x128xf32, #tpu.memory_space<hbm>>, %arg7: memref<125x80xi32, #tpu.memory_space<vmem>>, %arg8: memref<125x80xi32, #tpu.memory_space<vmem>>, %arg9: memref<80x128xf32, #tpu.memory_space<vmem>>, %arg10: memref<10000x128xf32, #tpu.memory_space<vmem_shared>>, %arg11: memref<!tpu.dma_semaphore, #tpu.memory_space<semaphore_mem>>) attributes {dimension_semantics = [#tpu.dimension_semantics<core_parallel>, #tpu.dimension_semantics<subcore_parallel>], iteration_bounds = array<i64: 2, 16>, scalar_prefetch = 0 : i64, scratch_operands = 5 : i64, tpu.core_type = #tpu.core_type<sc_vector_subcore>, window_params = [{transform_indices = #map}, {transform_indices = #map1}, {transform_indices = #map1}, {transform_indices = #map}, {transform_indices = #map1}]} {
    %mul3A = arith.constant 16 : i32
    %mul3A_0 = arith.muli %arg0, %mul3A : i32
    %add3A = arith.addi %mul3A_0, %arg1 : i32
    "tpu.region"() ({
      %run_scoped3A = tpu.sem_alloc : memref<!tpu.dma_semaphore, #tpu.memory_space<semaphore_mem>>
      %dma_start3A = arith.constant 0 : i32
      %dma_start3A_19 = arith.constant 0 : i32
      %dma_start3A_20 = tpu.memref_slice %arg3[%add3A, %dma_start3A, %dma_start3A_19] : memref<32x125x80xi32, #tpu.memory_space<hbm>> -> memref<1x125x80xi32, #tpu.memory_space<hbm>>
      %dma_start3A_21 = tpu.memref_squeeze %dma_start3A_20 : memref<1x125x80xi32, #tpu.memory_space<hbm>> -> memref<125x80xi32, #tpu.memory_space<hbm>>
      %dma_start3A_22 = arith.constant 0 : i32
      %dma_start3A_23 = arith.constant 0 : i32
      %dma_start3A_24 = tpu.memref_slice %arg3[%add3A, %dma_start3A_22, %dma_start3A_23] : memref<32x125x80xi32, #tpu.memory_space<hbm>> -> memref<1x125x80xi32, #tpu.memory_space<hbm>>
      %dma_start3A_25 = tpu.memref_squeeze %dma_start3A_24 : memref<1x125x80xi32, #tpu.memory_space<hbm>> -> memref<125x80xi32, #tpu.memory_space<hbm>>
      tpu.enqueue_dma source(%dma_start3A_25 : memref<125x80xi32, #tpu.memory_space<hbm>>) target(%arg7 : memref<125x80xi32, #tpu.memory_space<vmem>>) target_semaphore(%run_scoped3A : memref<!tpu.dma_semaphore, #tpu.memory_space<semaphore_mem>>)
      %dma_wait3A = arith.constant 0 : i32
      %dma_wait3A_26 = arith.constant 0 : i32
      %dma_wait3A_27 = tpu.memref_slice %arg3[%add3A, %dma_wait3A, %dma_wait3A_26] : memref<32x125x80xi32, #tpu.memory_space<hbm>> -> memref<1x125x80xi32, #tpu.memory_space<hbm>>
      %dma_wait3A_28 = tpu.memref_squeeze %dma_wait3A_27 : memref<1x125x80xi32, #tpu.memory_space<hbm>> -> memref<125x80xi32, #tpu.memory_space<hbm>>
      %dma_wait3A_29 = arith.constant 0 : i32
      %dma_wait3A_30 = arith.constant 0 : i32
      %dma_wait3A_31 = tpu.memref_slice %arg3[%add3A, %dma_wait3A_29, %dma_wait3A_30] : memref<32x125x80xi32, #tpu.memory_space<hbm>> -> memref<1x125x80xi32, #tpu.memory_space<hbm>>
      %dma_wait3A_32 = tpu.memref_squeeze %dma_wait3A_31 : memref<1x125x80xi32, #tpu.memory_space<hbm>> -> memref<125x80xi32, #tpu.memory_space<hbm>>
      tpu.wait_dma2 semaphore(%run_scoped3A : memref<!tpu.dma_semaphore, #tpu.memory_space<semaphore_mem>>) src(%dma_wait3A_32 : memref<125x80xi32, #tpu.memory_space<hbm>>) dst(%arg7 : memref<125x80xi32, #tpu.memory_space<vmem>>)
      tpu.yield
    }) : () -> ()
    "tpu.region"() ({
      %run_scoped3A = tpu.sem_alloc : memref<!tpu.dma_semaphore, #tpu.memory_space<semaphore_mem>>
      %dma_start3A = arith.constant 0 : i32
      %dma_start3A_19 = arith.constant 0 : i32
      %dma_start3A_20 = tpu.memref_slice %arg4[%add3A, %dma_start3A, %dma_start3A_19] : memref<32x125x80xi32, #tpu.memory_space<hbm>> -> memref<1x125x80xi32, #tpu.memory_space<hbm>>
      %dma_start3A_21 = tpu.memref_squeeze %dma_start3A_20 : memref<1x125x80xi32, #tpu.memory_space<hbm>> -> memref<125x80xi32, #tpu.memory_space<hbm>>
      %dma_start3A_22 = arith.constant 0 : i32
      %dma_start3A_23 = arith.constant 0 : i32
      %dma_start3A_24 = tpu.memref_slice %arg4[%add3A, %dma_start3A_22, %dma_start3A_23] : memref<32x125x80xi32, #tpu.memory_space<hbm>> -> memref<1x125x80xi32, #tpu.memory_space<hbm>>
      %dma_start3A_25 = tpu.memref_squeeze %dma_start3A_24 : memref<1x125x80xi32, #tpu.memory_space<hbm>> -> memref<125x80xi32, #tpu.memory_space<hbm>>
      tpu.enqueue_dma source(%dma_start3A_25 : memref<125x80xi32, #tpu.memory_space<hbm>>) target(%arg8 : memref<125x80xi32, #tpu.memory_space<vmem>>) target_semaphore(%run_scoped3A : memref<!tpu.dma_semaphore, #tpu.memory_space<semaphore_mem>>)
      %dma_wait3A = arith.constant 0 : i32
      %dma_wait3A_26 = arith.constant 0 : i32
      %dma_wait3A_27 = tpu.memref_slice %arg4[%add3A, %dma_wait3A, %dma_wait3A_26] : memref<32x125x80xi32, #tpu.memory_space<hbm>> -> memref<1x125x80xi32, #tpu.memory_space<hbm>>
      %dma_wait3A_28 = tpu.memref_squeeze %dma_wait3A_27 : memref<1x125x80xi32, #tpu.memory_space<hbm>> -> memref<125x80xi32, #tpu.memory_space<hbm>>
      %dma_wait3A_29 = arith.constant 0 : i32
      %dma_wait3A_30 = arith.constant 0 : i32
      %dma_wait3A_31 = tpu.memref_slice %arg4[%add3A, %dma_wait3A_29, %dma_wait3A_30] : memref<32x125x80xi32, #tpu.memory_space<hbm>> -> memref<1x125x80xi32, #tpu.memory_space<hbm>>
      %dma_wait3A_32 = tpu.memref_squeeze %dma_wait3A_31 : memref<1x125x80xi32, #tpu.memory_space<hbm>> -> memref<125x80xi32, #tpu.memory_space<hbm>>
      tpu.wait_dma2 semaphore(%run_scoped3A : memref<!tpu.dma_semaphore, #tpu.memory_space<semaphore_mem>>) src(%dma_wait3A_32 : memref<125x80xi32, #tpu.memory_space<hbm>>) dst(%arg8 : memref<125x80xi32, #tpu.memory_space<vmem>>)
      tpu.yield
    }) : () -> ()
    %scan3A = arith.constant 0 : i32
    %scan3A_1 = arith.constant 0 : i32
    %scan3A_2 = arith.constant 8 : i32
    %scan3A_3 = arith.addi %scan3A_1, %scan3A_2 : i32
    %scan3A_4 = arith.constant 1 : i32
    scf.for %scan3A_19 = %scan3A_1 to %scan3A_3 step %scan3A_4  : i32 {
      %mul3A_20 = arith.constant 16 : i32
      %mul3A_21 = arith.muli %scan3A_19, %mul3A_20 : i32
      %add3A_22 = arith.addi %arg1, %mul3A_21 : i32
      %lt3A = arith.constant 125 : i32
      %lt3A_23 = arith.cmpi slt, %add3A_22, %lt3A : i32
      %convert_element_type3A = arith.extui %lt3A_23 : i1 to i32
      %cond3A = arith.constant 0 : i32
      %cond3A_24 = arith.cmpi ne, %convert_element_type3A, %cond3A : i32
      scf.if %cond3A_24 {
        %mul3A_25 = arith.constant 80 : i32
        %mul3A_26 = arith.muli %add3A_22, %mul3A_25 : i32
        "tpu.region"() ({
          %run_scoped3A = tpu.sem_alloc : memref<!tpu.dma_semaphore, #tpu.memory_space<semaphore_mem>>
          %dma_start3A = arith.constant 0 : i32
          %dma_start3A_27 = tpu.memref_slice %arg10[%mul3A_26, %dma_start3A] : memref<10000x128xf32, #tpu.memory_space<vmem_shared>> -> memref<80x128xf32, #tpu.memory_space<vmem_shared>>
          tpu.enqueue_dma source(%arg5 : memref<80x128xf32, #tpu.memory_space<hbm>>) target(%dma_start3A_27 : memref<80x128xf32, #tpu.memory_space<vmem_shared>>) target_semaphore(%run_scoped3A : memref<!tpu.dma_semaphore, #tpu.memory_space<semaphore_mem>>)
          %dma_wait3A = arith.constant 0 : i32
          %dma_wait3A_28 = tpu.memref_slice %arg10[%mul3A_26, %dma_wait3A] : memref<10000x128xf32, #tpu.memory_space<vmem_shared>> -> memref<80x128xf32, #tpu.memory_space<vmem_shared>>
          tpu.wait_dma2 semaphore(%run_scoped3A : memref<!tpu.dma_semaphore, #tpu.memory_space<semaphore_mem>>) src(%arg5 : memref<80x128xf32, #tpu.memory_space<hbm>>) dst(%dma_wait3A_28 : memref<80x128xf32, #tpu.memory_space<vmem_shared>>)
          tpu.yield
        }) : () -> ()
      } else {
      }
    }
    %scan3A_5 = arith.constant 8 : i32
    %barrier3A = arith.constant 0 : index
    tpu.barrier barrier_id(%barrier3A)
    %scan3A_6 = arith.constant 0 : i32
    %scan3A_7 = arith.constant 0 : i32
    %scan3A_8 = arith.constant 125 : i32
    %scan3A_9 = arith.addi %scan3A_7, %scan3A_8 : i32
    %scan3A_10 = arith.constant 1 : i32
    scf.for %scan3A_19 = %scan3A_7 to %scan3A_9 step %scan3A_10  : i32 {
      %dma_start3A = arith.constant 0 : i32
      %dma_start3A_20 = tpu.memref_slice %arg7[%scan3A_19, %dma_start3A] : memref<125x80xi32, #tpu.memory_space<vmem>> -> memref<1x80xi32, #tpu.memory_space<vmem>>
      %dma_start3A_21 = tpu.memref_squeeze %dma_start3A_20 : memref<1x80xi32, #tpu.memory_space<vmem>> -> memref<80xi32, #tpu.memory_space<vmem>>
      %dma_start3A_22 = arith.constant 0 : i32
      %dma_start3A_23 = arith.constant 0 : i32
      %dma_start3A_24 = tpu.memref_slice %arg2[%dma_start3A_22, %dma_start3A_23] : memref<200000x128xf32, #tpu.memory_space<hbm>> -> memref<200000x128xf32, #tpu.memory_space<hbm>>
      tpu.enqueue_indirect_dma source(%dma_start3A_24 : memref<200000x128xf32, #tpu.memory_space<hbm>>) target(%arg9 : memref<80x128xf32, #tpu.memory_space<vmem>>) offsets(%dma_start3A_21 : memref<80xi32, #tpu.memory_space<vmem>>) semaphore(%arg11 : memref<!tpu.dma_semaphore, #tpu.memory_space<semaphore_mem>>)
      %dma_wait3A = arith.constant 0 : i32
      %dma_wait3A_25 = tpu.memref_slice %arg7[%scan3A_19, %dma_wait3A] : memref<125x80xi32, #tpu.memory_space<vmem>> -> memref<1x80xi32, #tpu.memory_space<vmem>>
      %dma_wait3A_26 = tpu.memref_squeeze %dma_wait3A_25 : memref<1x80xi32, #tpu.memory_space<vmem>> -> memref<80xi32, #tpu.memory_space<vmem>>
      %dma_wait3A_27 = arith.constant 0 : i32
      %dma_wait3A_28 = arith.constant 0 : i32
      %dma_wait3A_29 = tpu.memref_slice %arg2[%dma_wait3A_27, %dma_wait3A_28] : memref<200000x128xf32, #tpu.memory_space<hbm>> -> memref<200000x128xf32, #tpu.memory_space<hbm>>
      tpu.wait_indirect_dma semaphore(%arg11 : memref<!tpu.dma_semaphore, #tpu.memory_space<semaphore_mem>>) src(%dma_wait3A_29 : memref<200000x128xf32, #tpu.memory_space<hbm>>) dst(%arg9 : memref<80x128xf32, #tpu.memory_space<vmem>>)
      "tpu.region"() ({
        %run_scoped3A = tpu.sem_alloc : memref<!tpu.dma_semaphore, #tpu.memory_space<semaphore_mem>>
        %dma_start3A_30 = arith.constant 0 : i32
        %dma_start3A_31 = tpu.memref_slice %arg8[%scan3A_19, %dma_start3A_30] : memref<125x80xi32, #tpu.memory_space<vmem>> -> memref<1x80xi32, #tpu.memory_space<vmem>>
        %dma_start3A_32 = tpu.memref_squeeze %dma_start3A_31 : memref<1x80xi32, #tpu.memory_space<vmem>> -> memref<80xi32, #tpu.memory_space<vmem>>
        %dma_start3A_33 = arith.constant 0 : i32
        %dma_start3A_34 = arith.constant 0 : i32
        %dma_start3A_35 = tpu.memref_slice %arg10[%dma_start3A_33, %dma_start3A_34] : memref<10000x128xf32, #tpu.memory_space<vmem_shared>> -> memref<10000x128xf32, #tpu.memory_space<vmem_shared>>
        tpu.enqueue_indirect_dma source(%arg9 : memref<80x128xf32, #tpu.memory_space<vmem>>) target(%dma_start3A_35 : memref<10000x128xf32, #tpu.memory_space<vmem_shared>>) offsets(%dma_start3A_32 : memref<80xi32, #tpu.memory_space<vmem>>) semaphore(%run_scoped3A : memref<!tpu.dma_semaphore, #tpu.memory_space<semaphore_mem>>) {add = true}
        %dma_wait3A_36 = arith.constant 0 : i32
        %dma_wait3A_37 = tpu.memref_slice %arg8[%scan3A_19, %dma_wait3A_36] : memref<125x80xi32, #tpu.memory_space<vmem>> -> memref<1x80xi32, #tpu.memory_space<vmem>>
        %dma_wait3A_38 = tpu.memref_squeeze %dma_wait3A_37 : memref<1x80xi32, #tpu.memory_space<vmem>> -> memref<80xi32, #tpu.memory_space<vmem>>
        %dma_wait3A_39 = arith.constant 0 : i32
        %dma_wait3A_40 = arith.constant 0 : i32
        %dma_wait3A_41 = tpu.memref_slice %arg10[%dma_wait3A_39, %dma_wait3A_40] : memref<10000x128xf32, #tpu.memory_space<vmem_shared>> -> memref<10000x128xf32, #tpu.memory_space<vmem_shared>>
        tpu.wait_indirect_dma semaphore(%run_scoped3A : memref<!tpu.dma_semaphore, #tpu.memory_space<semaphore_mem>>) src(%arg9 : memref<80x128xf32, #tpu.memory_space<vmem>>) dst(%dma_wait3A_41 : memref<10000x128xf32, #tpu.memory_space<vmem_shared>>)
        tpu.yield
      }) : () -> ()
    }
    %scan3A_11 = arith.constant 125 : i32
    %barrier3A_12 = arith.constant 0 : index
    tpu.barrier barrier_id(%barrier3A_12)
    %scan3A_13 = arith.constant 0 : i32
    %scan3A_14 = arith.constant 0 : i32
    %scan3A_15 = arith.constant 8 : i32
    %scan3A_16 = arith.addi %scan3A_14, %scan3A_15 : i32
    %scan3A_17 = arith.constant 1 : i32
    scf.for %scan3A_19 = %scan3A_14 to %scan3A_16 step %scan3A_17  : i32 {
      %mul3A_20 = arith.constant 16 : i32
      %mul3A_21 = arith.muli %scan3A_19, %mul3A_20 : i32
      %add3A_22 = arith.addi %arg1, %mul3A_21 : i32
      %lt3A = arith.constant 125 : i32
      %lt3A_23 = arith.cmpi slt, %add3A_22, %lt3A : i32
      %convert_element_type3A = arith.extui %lt3A_23 : i1 to i32
      %cond3A = arith.constant 0 : i32
      %cond3A_24 = arith.cmpi ne, %convert_element_type3A, %cond3A : i32
      scf.if %cond3A_24 {
        %mul3A_25 = arith.constant 80 : i32
        %mul3A_26 = arith.muli %add3A_22, %mul3A_25 : i32
        "tpu.region"() ({
          %run_scoped3A = tpu.sem_alloc : memref<!tpu.dma_semaphore, #tpu.memory_space<semaphore_mem>>
          %dma_start3A = arith.constant 0 : i32
          %dma_start3A_29 = tpu.memref_slice %arg10[%mul3A_26, %dma_start3A] : memref<10000x128xf32, #tpu.memory_space<vmem_shared>> -> memref<80x128xf32, #tpu.memory_space<vmem_shared>>
          %dma_start3A_30 = arith.constant 0 : i32
          %dma_start3A_31 = tpu.memref_slice %arg10[%mul3A_26, %dma_start3A_30] : memref<10000x128xf32, #tpu.memory_space<vmem_shared>> -> memref<80x128xf32, #tpu.memory_space<vmem_shared>>
          tpu.enqueue_dma source(%dma_start3A_31 : memref<80x128xf32, #tpu.memory_space<vmem_shared>>) target(%arg9 : memref<80x128xf32, #tpu.memory_space<vmem>>) target_semaphore(%run_scoped3A : memref<!tpu.dma_semaphore, #tpu.memory_space<semaphore_mem>>)
          %dma_wait3A = arith.constant 0 : i32
          %dma_wait3A_32 = tpu.memref_slice %arg10[%mul3A_26, %dma_wait3A] : memref<10000x128xf32, #tpu.memory_space<vmem_shared>> -> memref<80x128xf32, #tpu.memory_space<vmem_shared>>
          %dma_wait3A_33 = arith.constant 0 : i32
          %dma_wait3A_34 = tpu.memref_slice %arg10[%mul3A_26, %dma_wait3A_33] : memref<10000x128xf32, #tpu.memory_space<vmem_shared>> -> memref<80x128xf32, #tpu.memory_space<vmem_shared>>
          tpu.wait_dma2 semaphore(%run_scoped3A : memref<!tpu.dma_semaphore, #tpu.memory_space<semaphore_mem>>) src(%dma_wait3A_34 : memref<80x128xf32, #tpu.memory_space<vmem_shared>>) dst(%arg9 : memref<80x128xf32, #tpu.memory_space<vmem>>)
          tpu.yield
        }) : () -> ()
        %mul3A_27 = arith.constant 80 : i32
        %mul3A_28 = arith.muli %add3A_22, %mul3A_27 : i32
        "tpu.region"() ({
          %run_scoped3A = tpu.sem_alloc : memref<!tpu.dma_semaphore, #tpu.memory_space<semaphore_mem>>
          %dma_start3A = arith.constant 0 : i32
          %dma_start3A_29 = tpu.memref_slice %arg6[%arg0, %mul3A_28, %dma_start3A] : memref<2x10000x128xf32, #tpu.memory_space<hbm>> -> memref<1x80x128xf32, #tpu.memory_space<hbm>>
          %dma_start3A_30 = tpu.memref_squeeze %dma_start3A_29 : memref<1x80x128xf32, #tpu.memory_space<hbm>> -> memref<80x128xf32, #tpu.memory_space<hbm>>
          %dma_start3A_31 = arith.constant 0 : i32
          %dma_start3A_32 = tpu.memref_slice %arg6[%arg0, %mul3A_28, %dma_start3A_31] : memref<2x10000x128xf32, #tpu.memory_space<hbm>> -> memref<1x80x128xf32, #tpu.memory_space<hbm>>
          %dma_start3A_33 = tpu.memref_squeeze %dma_start3A_32 : memref<1x80x128xf32, #tpu.memory_space<hbm>> -> memref<80x128xf32, #tpu.memory_space<hbm>>
          tpu.enqueue_dma source(%arg9 : memref<80x128xf32, #tpu.memory_space<vmem>>) target(%dma_start3A_33 : memref<80x128xf32, #tpu.memory_space<hbm>>) target_semaphore(%run_scoped3A : memref<!tpu.dma_semaphore, #tpu.memory_space<semaphore_mem>>)
          %dma_wait3A = arith.constant 0 : i32
          %dma_wait3A_34 = tpu.memref_slice %arg6[%arg0, %mul3A_28, %dma_wait3A] : memref<2x10000x128xf32, #tpu.memory_space<hbm>> -> memref<1x80x128xf32, #tpu.memory_space<hbm>>
          %dma_wait3A_35 = tpu.memref_squeeze %dma_wait3A_34 : memref<1x80x128xf32, #tpu.memory_space<hbm>> -> memref<80x128xf32, #tpu.memory_space<hbm>>
          %dma_wait3A_36 = arith.constant 0 : i32
          %dma_wait3A_37 = tpu.memref_slice %arg6[%arg0, %mul3A_28, %dma_wait3A_36] : memref<2x10000x128xf32, #tpu.memory_space<hbm>> -> memref<1x80x128xf32, #tpu.memory_space<hbm>>
          %dma_wait3A_38 = tpu.memref_squeeze %dma_wait3A_37 : memref<1x80x128xf32, #tpu.memory_space<hbm>> -> memref<80x128xf32, #tpu.memory_space<hbm>>
          tpu.wait_dma2 semaphore(%run_scoped3A : memref<!tpu.dma_semaphore, #tpu.memory_space<semaphore_mem>>) src(%arg9 : memref<80x128xf32, #tpu.memory_space<vmem>>) dst(%dma_wait3A_38 : memref<80x128xf32, #tpu.memory_space<hbm>>)
          tpu.yield
        }) : () -> ()
      } else {
      }
    }
    %scan3A_18 = arith.constant 8 : i32
    return
  }
}

#map = affine_map<(d0, d1) -> (0, 0)>
#map1 = affine_map<(d0, d1) -> (0, 0, 0)>
module attributes {stable_mosaic.version = 14 : i64} {
  func.func @k(%arg0: i32, %arg1: i32, %arg2: memref<200000x32xf32, #tpu.memory_space<hbm>>, %arg3: memref<32x125x80xi32, #tpu.memory_space<hbm>>, %arg4: memref<32x125x80xi32, #tpu.memory_space<hbm>>, %arg5: memref<80x32xf32, #tpu.memory_space<hbm>>, %arg6: memref<2x10000x32xf32, #tpu.memory_space<hbm>>, %arg7: memref<125x80xi32, #tpu.memory_space<vmem>>, %arg8: memref<125x80xi32, #tpu.memory_space<vmem>>, %arg9: memref<80x32xf32, #tpu.memory_space<vmem>>, %arg10: memref<10000x32xf32, #tpu.memory_space<vmem_shared>>, %arg11: memref<!tpu.dma_semaphore, #tpu.memory_space<semaphore_mem>>) attributes {dimension_semantics = [#tpu.dimension_semantics<core_parallel>, #tpu.dimension_semantics<subcore_parallel>], iteration_bounds = array<i64: 2, 16>, scalar_prefetch = 0 : i64, scratch_operands = 5 : i64, tpu.core_type = #tpu.core_type<sc_vector_subcore>, window_params = [{transform_indices = #map}, {transform_indices = #map1}, {transform_indices = #map1}, {transform_indices = #map}, {transform_indices = #map1}]} {
    %mul3A = arith.constant 16 : i32
    %mul3A_0 = arith.muli %arg0, %mul3A : i32
    %add3A = arith.addi %mul3A_0, %arg1 : i32
    "tpu.region"() ({
      %run_scoped3A = tpu.sem_alloc : memref<!tpu.dma_semaphore, #tpu.memory_space<semaphore_mem>>
      %dma_start3A = arith.constant 0 : i32
      %dma_start3A_19 = arith.constant 0 : i32
      %dma_start3A_20 = tpu.memref_slice %arg3[%add3A, %dma_start3A, %dma_start3A_19] : memref<32x125x80xi32, #tpu.memory_space<hbm>> -> memref<1x125x80xi32, #tpu.memory_space<hbm>>
      %dma_start3A_21 = tpu.memref_squeeze %dma_start3A_20 : memref<1x125x80xi32, #tpu.memory_space<hbm>> -> memref<125x80xi32, #tpu.memory_space<hbm>>
      %dma_start3A_22 = arith.constant 0 : i32
      %dma_start3A_23 = arith.constant 0 : i32
      %dma_start3A_24 = tpu.memref_slice %arg3[%add3A, %dma_start3A_22, %dma_start3A_23] : memref<32x125x80xi32, #tpu.memory_space<hbm>> -> memref<1x125x80xi32, #tpu.memory_space<hbm>>
      %dma_start3A_25 = tpu.memref_squeeze %dma_start3A_24 : memref<1x125x80xi32, #tpu.memory_space<hbm>> -> memref<125x80xi32, #tpu.memory_space<hbm>>
      tpu.enqueue_dma source(%dma_start3A_25 : memref<125x80xi32, #tpu.memory_space<hbm>>) target(%arg7 : memref<125x80xi32, #tpu.memory_space<vmem>>) target_semaphore(%run_scoped3A : memref<!tpu.dma_semaphore, #tpu.memory_space<semaphore_mem>>)
      %dma_wait3A = arith.constant 0 : i32
      %dma_wait3A_26 = arith.constant 0 : i32
      %dma_wait3A_27 = tpu.memref_slice %arg3[%add3A, %dma_wait3A, %dma_wait3A_26] : memref<32x125x80xi32, #tpu.memory_space<hbm>> -> memref<1x125x80xi32, #tpu.memory_space<hbm>>
      %dma_wait3A_28 = tpu.memref_squeeze %dma_wait3A_27 : memref<1x125x80xi32, #tpu.memory_space<hbm>> -> memref<125x80xi32, #tpu.memory_space<hbm>>
      %dma_wait3A_29 = arith.constant 0 : i32
      %dma_wait3A_30 = arith.constant 0 : i32
      %dma_wait3A_31 = tpu.memref_slice %arg3[%add3A, %dma_wait3A_29, %dma_wait3A_30] : memref<32x125x80xi32, #tpu.memory_space<hbm>> -> memref<1x125x80xi32, #tpu.memory_space<hbm>>
      %dma_wait3A_32 = tpu.memref_squeeze %dma_wait3A_31 : memref<1x125x80xi32, #tpu.memory_space<hbm>> -> memref<125x80xi32, #tpu.memory_space<hbm>>
      tpu.wait_dma2 semaphore(%run_scoped3A : memref<!tpu.dma_semaphore, #tpu.memory_space<semaphore_mem>>) src(%dma_wait3A_32 : memref<125x80xi32, #tpu.memory_space<hbm>>) dst(%arg7 : memref<125x80xi32, #tpu.memory_space<vmem>>)
      tpu.yield
    }) : () -> ()
    "tpu.region"() ({
      %run_scoped3A = tpu.sem_alloc : memref<!tpu.dma_semaphore, #tpu.memory_space<semaphore_mem>>
      %dma_start3A = arith.constant 0 : i32
      %dma_start3A_19 = arith.constant 0 : i32
      %dma_start3A_20 = tpu.memref_slice %arg4[%add3A, %dma_start3A, %dma_start3A_19] : memref<32x125x80xi32, #tpu.memory_space<hbm>> -> memref<1x125x80xi32, #tpu.memory_space<hbm>>
      %dma_start3A_21 = tpu.memref_squeeze %dma_start3A_20 : memref<1x125x80xi32, #tpu.memory_space<hbm>> -> memref<125x80xi32, #tpu.memory_space<hbm>>
      %dma_start3A_22 = arith.constant 0 : i32
      %dma_start3A_23 = arith.constant 0 : i32
      %dma_start3A_24 = tpu.memref_slice %arg4[%add3A, %dma_start3A_22, %dma_start3A_23] : memref<32x125x80xi32, #tpu.memory_space<hbm>> -> memref<1x125x80xi32, #tpu.memory_space<hbm>>
      %dma_start3A_25 = tpu.memref_squeeze %dma_start3A_24 : memref<1x125x80xi32, #tpu.memory_space<hbm>> -> memref<125x80xi32, #tpu.memory_space<hbm>>
      tpu.enqueue_dma source(%dma_start3A_25 : memref<125x80xi32, #tpu.memory_space<hbm>>) target(%arg8 : memref<125x80xi32, #tpu.memory_space<vmem>>) target_semaphore(%run_scoped3A : memref<!tpu.dma_semaphore, #tpu.memory_space<semaphore_mem>>)
      %dma_wait3A = arith.constant 0 : i32
      %dma_wait3A_26 = arith.constant 0 : i32
      %dma_wait3A_27 = tpu.memref_slice %arg4[%add3A, %dma_wait3A, %dma_wait3A_26] : memref<32x125x80xi32, #tpu.memory_space<hbm>> -> memref<1x125x80xi32, #tpu.memory_space<hbm>>
      %dma_wait3A_28 = tpu.memref_squeeze %dma_wait3A_27 : memref<1x125x80xi32, #tpu.memory_space<hbm>> -> memref<125x80xi32, #tpu.memory_space<hbm>>
      %dma_wait3A_29 = arith.constant 0 : i32
      %dma_wait3A_30 = arith.constant 0 : i32
      %dma_wait3A_31 = tpu.memref_slice %arg4[%add3A, %dma_wait3A_29, %dma_wait3A_30] : memref<32x125x80xi32, #tpu.memory_space<hbm>> -> memref<1x125x80xi32, #tpu.memory_space<hbm>>
      %dma_wait3A_32 = tpu.memref_squeeze %dma_wait3A_31 : memref<1x125x80xi32, #tpu.memory_space<hbm>> -> memref<125x80xi32, #tpu.memory_space<hbm>>
      tpu.wait_dma2 semaphore(%run_scoped3A : memref<!tpu.dma_semaphore, #tpu.memory_space<semaphore_mem>>) src(%dma_wait3A_32 : memref<125x80xi32, #tpu.memory_space<hbm>>) dst(%arg8 : memref<125x80xi32, #tpu.memory_space<vmem>>)
      tpu.yield
    }) : () -> ()
    %scan3A = arith.constant 0 : i32
    %scan3A_1 = arith.constant 0 : i32
    %scan3A_2 = arith.constant 8 : i32
    %scan3A_3 = arith.addi %scan3A_1, %scan3A_2 : i32
    %scan3A_4 = arith.constant 1 : i32
    scf.for %scan3A_19 = %scan3A_1 to %scan3A_3 step %scan3A_4  : i32 {
      %mul3A_20 = arith.constant 16 : i32
      %mul3A_21 = arith.muli %scan3A_19, %mul3A_20 : i32
      %add3A_22 = arith.addi %arg1, %mul3A_21 : i32
      %lt3A = arith.constant 125 : i32
      %lt3A_23 = arith.cmpi slt, %add3A_22, %lt3A : i32
      %convert_element_type3A = arith.extui %lt3A_23 : i1 to i32
      %cond3A = arith.constant 0 : i32
      %cond3A_24 = arith.cmpi ne, %convert_element_type3A, %cond3A : i32
      scf.if %cond3A_24 {
        %mul3A_25 = arith.constant 80 : i32
        %mul3A_26 = arith.muli %add3A_22, %mul3A_25 : i32
        "tpu.region"() ({
          %run_scoped3A = tpu.sem_alloc : memref<!tpu.dma_semaphore, #tpu.memory_space<semaphore_mem>>
          %dma_start3A = arith.constant 0 : i32
          %dma_start3A_27 = tpu.memref_slice %arg10[%mul3A_26, %dma_start3A] : memref<10000x32xf32, #tpu.memory_space<vmem_shared>> -> memref<80x32xf32, #tpu.memory_space<vmem_shared>>
          tpu.enqueue_dma source(%arg5 : memref<80x32xf32, #tpu.memory_space<hbm>>) target(%dma_start3A_27 : memref<80x32xf32, #tpu.memory_space<vmem_shared>>) target_semaphore(%run_scoped3A : memref<!tpu.dma_semaphore, #tpu.memory_space<semaphore_mem>>)
          %dma_wait3A = arith.constant 0 : i32
          %dma_wait3A_28 = tpu.memref_slice %arg10[%mul3A_26, %dma_wait3A] : memref<10000x32xf32, #tpu.memory_space<vmem_shared>> -> memref<80x32xf32, #tpu.memory_space<vmem_shared>>
          tpu.wait_dma2 semaphore(%run_scoped3A : memref<!tpu.dma_semaphore, #tpu.memory_space<semaphore_mem>>) src(%arg5 : memref<80x32xf32, #tpu.memory_space<hbm>>) dst(%dma_wait3A_28 : memref<80x32xf32, #tpu.memory_space<vmem_shared>>)
          tpu.yield
        }) : () -> ()
      } else {
      }
    }
    %scan3A_5 = arith.constant 8 : i32
    %barrier3A = arith.constant 0 : index
    tpu.barrier barrier_id(%barrier3A)
    %scan3A_6 = arith.constant 0 : i32
    %scan3A_7 = arith.constant 0 : i32
    %scan3A_8 = arith.constant 125 : i32
    %scan3A_9 = arith.addi %scan3A_7, %scan3A_8 : i32
    %scan3A_10 = arith.constant 1 : i32
    scf.for %scan3A_19 = %scan3A_7 to %scan3A_9 step %scan3A_10  : i32 {
      %dma_start3A = arith.constant 0 : i32
      %dma_start3A_20 = tpu.memref_slice %arg7[%scan3A_19, %dma_start3A] : memref<125x80xi32, #tpu.memory_space<vmem>> -> memref<1x80xi32, #tpu.memory_space<vmem>>
      %dma_start3A_21 = tpu.memref_squeeze %dma_start3A_20 : memref<1x80xi32, #tpu.memory_space<vmem>> -> memref<80xi32, #tpu.memory_space<vmem>>
      %dma_start3A_22 = arith.constant 0 : i32
      %dma_start3A_23 = arith.constant 0 : i32
      %dma_start3A_24 = tpu.memref_slice %arg2[%dma_start3A_22, %dma_start3A_23] : memref<200000x32xf32, #tpu.memory_space<hbm>> -> memref<200000x32xf32, #tpu.memory_space<hbm>>
      tpu.enqueue_indirect_dma source(%dma_start3A_24 : memref<200000x32xf32, #tpu.memory_space<hbm>>) target(%arg9 : memref<80x32xf32, #tpu.memory_space<vmem>>) offsets(%dma_start3A_21 : memref<80xi32, #tpu.memory_space<vmem>>) semaphore(%arg11 : memref<!tpu.dma_semaphore, #tpu.memory_space<semaphore_mem>>)
      %dma_wait3A = arith.constant 0 : i32
      %dma_wait3A_25 = tpu.memref_slice %arg7[%scan3A_19, %dma_wait3A] : memref<125x80xi32, #tpu.memory_space<vmem>> -> memref<1x80xi32, #tpu.memory_space<vmem>>
      %dma_wait3A_26 = tpu.memref_squeeze %dma_wait3A_25 : memref<1x80xi32, #tpu.memory_space<vmem>> -> memref<80xi32, #tpu.memory_space<vmem>>
      %dma_wait3A_27 = arith.constant 0 : i32
      %dma_wait3A_28 = arith.constant 0 : i32
      %dma_wait3A_29 = tpu.memref_slice %arg2[%dma_wait3A_27, %dma_wait3A_28] : memref<200000x32xf32, #tpu.memory_space<hbm>> -> memref<200000x32xf32, #tpu.memory_space<hbm>>
      tpu.wait_indirect_dma semaphore(%arg11 : memref<!tpu.dma_semaphore, #tpu.memory_space<semaphore_mem>>) src(%dma_wait3A_29 : memref<200000x32xf32, #tpu.memory_space<hbm>>) dst(%arg9 : memref<80x32xf32, #tpu.memory_space<vmem>>)
      "tpu.region"() ({
        %run_scoped3A = tpu.sem_alloc : memref<!tpu.dma_semaphore, #tpu.memory_space<semaphore_mem>>
        %dma_start3A_30 = arith.constant 0 : i32
        %dma_start3A_31 = tpu.memref_slice %arg8[%scan3A_19, %dma_start3A_30] : memref<125x80xi32, #tpu.memory_space<vmem>> -> memref<1x80xi32, #tpu.memory_space<vmem>>
        %dma_start3A_32 = tpu.memref_squeeze %dma_start3A_31 : memref<1x80xi32, #tpu.memory_space<vmem>> -> memref<80xi32, #tpu.memory_space<vmem>>
        %dma_start3A_33 = arith.constant 0 : i32
        %dma_start3A_34 = arith.constant 0 : i32
        %dma_start3A_35 = tpu.memref_slice %arg10[%dma_start3A_33, %dma_start3A_34] : memref<10000x32xf32, #tpu.memory_space<vmem_shared>> -> memref<10000x32xf32, #tpu.memory_space<vmem_shared>>
        tpu.enqueue_indirect_dma source(%arg9 : memref<80x32xf32, #tpu.memory_space<vmem>>) target(%dma_start3A_35 : memref<10000x32xf32, #tpu.memory_space<vmem_shared>>) offsets(%dma_start3A_32 : memref<80xi32, #tpu.memory_space<vmem>>) semaphore(%run_scoped3A : memref<!tpu.dma_semaphore, #tpu.memory_space<semaphore_mem>>) {add = true}
        %dma_wait3A_36 = arith.constant 0 : i32
        %dma_wait3A_37 = tpu.memref_slice %arg8[%scan3A_19, %dma_wait3A_36] : memref<125x80xi32, #tpu.memory_space<vmem>> -> memref<1x80xi32, #tpu.memory_space<vmem>>
        %dma_wait3A_38 = tpu.memref_squeeze %dma_wait3A_37 : memref<1x80xi32, #tpu.memory_space<vmem>> -> memref<80xi32, #tpu.memory_space<vmem>>
        %dma_wait3A_39 = arith.constant 0 : i32
        %dma_wait3A_40 = arith.constant 0 : i32
        %dma_wait3A_41 = tpu.memref_slice %arg10[%dma_wait3A_39, %dma_wait3A_40] : memref<10000x32xf32, #tpu.memory_space<vmem_shared>> -> memref<10000x32xf32, #tpu.memory_space<vmem_shared>>
        tpu.wait_indirect_dma semaphore(%run_scoped3A : memref<!tpu.dma_semaphore, #tpu.memory_space<semaphore_mem>>) src(%arg9 : memref<80x32xf32, #tpu.memory_space<vmem>>) dst(%dma_wait3A_41 : memref<10000x32xf32, #tpu.memory_space<vmem_shared>>)
        tpu.yield
      }) : () -> ()
    }
    %scan3A_11 = arith.constant 125 : i32
    %barrier3A_12 = arith.constant 0 : index
    tpu.barrier barrier_id(%barrier3A_12)
    %scan3A_13 = arith.constant 0 : i32
    %scan3A_14 = arith.constant 0 : i32
    %scan3A_15 = arith.constant 8 : i32
    %scan3A_16 = arith.addi %scan3A_14, %scan3A_15 : i32
    %scan3A_17 = arith.constant 1 : i32
    scf.for %scan3A_19 = %scan3A_14 to %scan3A_16 step %scan3A_17  : i32 {
      %mul3A_20 = arith.constant 16 : i32
      %mul3A_21 = arith.muli %scan3A_19, %mul3A_20 : i32
      %add3A_22 = arith.addi %arg1, %mul3A_21 : i32
      %lt3A = arith.constant 125 : i32
      %lt3A_23 = arith.cmpi slt, %add3A_22, %lt3A : i32
      %convert_element_type3A = arith.extui %lt3A_23 : i1 to i32
      %cond3A = arith.constant 0 : i32
      %cond3A_24 = arith.cmpi ne, %convert_element_type3A, %cond3A : i32
      scf.if %cond3A_24 {
        %mul3A_25 = arith.constant 80 : i32
        %mul3A_26 = arith.muli %add3A_22, %mul3A_25 : i32
        "tpu.region"() ({
          %run_scoped3A = tpu.sem_alloc : memref<!tpu.dma_semaphore, #tpu.memory_space<semaphore_mem>>
          %dma_start3A = arith.constant 0 : i32
          %dma_start3A_29 = tpu.memref_slice %arg10[%mul3A_26, %dma_start3A] : memref<10000x32xf32, #tpu.memory_space<vmem_shared>> -> memref<80x32xf32, #tpu.memory_space<vmem_shared>>
          %dma_start3A_30 = arith.constant 0 : i32
          %dma_start3A_31 = tpu.memref_slice %arg10[%mul3A_26, %dma_start3A_30] : memref<10000x32xf32, #tpu.memory_space<vmem_shared>> -> memref<80x32xf32, #tpu.memory_space<vmem_shared>>
          tpu.enqueue_dma source(%dma_start3A_31 : memref<80x32xf32, #tpu.memory_space<vmem_shared>>) target(%arg9 : memref<80x32xf32, #tpu.memory_space<vmem>>) target_semaphore(%run_scoped3A : memref<!tpu.dma_semaphore, #tpu.memory_space<semaphore_mem>>)
          %dma_wait3A = arith.constant 0 : i32
          %dma_wait3A_32 = tpu.memref_slice %arg10[%mul3A_26, %dma_wait3A] : memref<10000x32xf32, #tpu.memory_space<vmem_shared>> -> memref<80x32xf32, #tpu.memory_space<vmem_shared>>
          %dma_wait3A_33 = arith.constant 0 : i32
          %dma_wait3A_34 = tpu.memref_slice %arg10[%mul3A_26, %dma_wait3A_33] : memref<10000x32xf32, #tpu.memory_space<vmem_shared>> -> memref<80x32xf32, #tpu.memory_space<vmem_shared>>
          tpu.wait_dma2 semaphore(%run_scoped3A : memref<!tpu.dma_semaphore, #tpu.memory_space<semaphore_mem>>) src(%dma_wait3A_34 : memref<80x32xf32, #tpu.memory_space<vmem_shared>>) dst(%arg9 : memref<80x32xf32, #tpu.memory_space<vmem>>)
          tpu.yield
        }) : () -> ()
        %mul3A_27 = arith.constant 80 : i32
        %mul3A_28 = arith.muli %add3A_22, %mul3A_27 : i32
        "tpu.region"() ({
          %run_scoped3A = tpu.sem_alloc : memref<!tpu.dma_semaphore, #tpu.memory_space<semaphore_mem>>
          %dma_start3A = arith.constant 0 : i32
          %dma_start3A_29 = tpu.memref_slice %arg6[%arg0, %mul3A_28, %dma_start3A] : memref<2x10000x32xf32, #tpu.memory_space<hbm>> -> memref<1x80x32xf32, #tpu.memory_space<hbm>>
          %dma_start3A_30 = tpu.memref_squeeze %dma_start3A_29 : memref<1x80x32xf32, #tpu.memory_space<hbm>> -> memref<80x32xf32, #tpu.memory_space<hbm>>
          %dma_start3A_31 = arith.constant 0 : i32
          %dma_start3A_32 = tpu.memref_slice %arg6[%arg0, %mul3A_28, %dma_start3A_31] : memref<2x10000x32xf32, #tpu.memory_space<hbm>> -> memref<1x80x32xf32, #tpu.memory_space<hbm>>
          %dma_start3A_33 = tpu.memref_squeeze %dma_start3A_32 : memref<1x80x32xf32, #tpu.memory_space<hbm>> -> memref<80x32xf32, #tpu.memory_space<hbm>>
          tpu.enqueue_dma source(%arg9 : memref<80x32xf32, #tpu.memory_space<vmem>>) target(%dma_start3A_33 : memref<80x32xf32, #tpu.memory_space<hbm>>) target_semaphore(%run_scoped3A : memref<!tpu.dma_semaphore, #tpu.memory_space<semaphore_mem>>)
          %dma_wait3A = arith.constant 0 : i32
          %dma_wait3A_34 = tpu.memref_slice %arg6[%arg0, %mul3A_28, %dma_wait3A] : memref<2x10000x32xf32, #tpu.memory_space<hbm>> -> memref<1x80x32xf32, #tpu.memory_space<hbm>>
          %dma_wait3A_35 = tpu.memref_squeeze %dma_wait3A_34 : memref<1x80x32xf32, #tpu.memory_space<hbm>> -> memref<80x32xf32, #tpu.memory_space<hbm>>
          %dma_wait3A_36 = arith.constant 0 : i32
          %dma_wait3A_37 = tpu.memref_slice %arg6[%arg0, %mul3A_28, %dma_wait3A_36] : memref<2x10000x32xf32, #tpu.memory_space<hbm>> -> memref<1x80x32xf32, #tpu.memory_space<hbm>>
          %dma_wait3A_38 = tpu.memref_squeeze %dma_wait3A_37 : memref<1x80x32xf32, #tpu.memory_space<hbm>> -> memref<80x32xf32, #tpu.memory_space<hbm>>
          tpu.wait_dma2 semaphore(%run_scoped3A : memref<!tpu.dma_semaphore, #tpu.memory_space<semaphore_mem>>) src(%arg9 : memref<80x32xf32, #tpu.memory_space<vmem>>) dst(%dma_wait3A_38 : memref<80x32xf32, #tpu.memory_space<hbm>>)
          tpu.yield
        }) : () -> ()
      } else {
      }
    }
    %scan3A_18 = arith.constant 8 : i32
    return
  }
}

module attributes {stable_mosaic.version = 14 : i64} {
  func.func @body(%arg0: i32, %arg1: memref<1000x128xf32, #tpu.memory_space<vmem>>, %arg2: memref<128x2560xf32, #tpu.memory_space<vmem>>, %arg3: memref<128x128xf32, #tpu.memory_space<vmem>>, %arg4: memref<1x128xf32, #tpu.memory_space<vmem>>, %arg5: memref<1000x2560xf32, #tpu.memory_space<vmem>>, %arg6: memref<1000x128xf32, #tpu.memory_space<vmem>>) attributes {dimension_semantics = [#tpu.dimension_semantics<arbitrary>], iteration_bounds = array<i64: 10>, scalar_prefetch = 0 : i64, scratch_operands = 0 : i64, tpu.core_type = #tpu.core_type<tc>, window_params = [{transform_indices = @transform_0, window_bounds = array<i64: 1000, 128>}, {pipeline_mode = #tpu.pipeline_mode<synchronous>, transform_indices = @transform_1, window_bounds = array<i64: 128, 2560>}, {pipeline_mode = #tpu.pipeline_mode<synchronous>, transform_indices = @transform_2, window_bounds = array<i64: 128, 128>}, {pipeline_mode = #tpu.pipeline_mode<synchronous>, transform_indices = @transform_3, window_bounds = array<i64: 1, 128>}, {transform_indices = @transform_4, window_bounds = array<i64: 1000, 2560>}, {transform_indices = @transform_5, window_bounds = array<i64: 1000, 128>}]} {
    %get3A = arith.constant 0 : index
    %get3A_0 = arith.constant 0 : index
    %get3A_1 = vector.load %arg1[%get3A, %get3A_0] : memref<1000x128xf32, #tpu.memory_space<vmem>>, vector<1000x128xf32>
    %get3A_2 = arith.constant 0 : index
    %get3A_3 = arith.constant 0 : index
    %get3A_4 = vector.load %arg2[%get3A_2, %get3A_3] : memref<128x2560xf32, #tpu.memory_space<vmem>>, vector<128x2560xf32>
    %dot_general3A = arith.constant dense<0.000000e+00> : vector<1000x2560xf32>
    %dot_general3A_5 = tpu.matmul %get3A_1, %get3A_4, %dot_general3A {dimension_numbers = #tpu.dot_dimension_numbers<[1], [0], [0], [1], [0, 0, 1, 1], [], []>, transpose_lhs_hint = false} : vector<1000x128xf32>, vector<128x2560xf32>, vector<1000x2560xf32> -> vector<1000x2560xf32>
    %swap3A = arith.constant 0 : index
    %swap3A_6 = arith.constant 0 : index
    %swap3A_7 = vector.load %arg5[%swap3A, %swap3A_6] : memref<1000x2560xf32, #tpu.memory_space<vmem>>, vector<1000x2560xf32>
    tpu.vector_store %arg5[%swap3A, %swap3A_6], %dot_general3A_5 {strides = array<i32>} : memref<1000x2560xf32, #tpu.memory_space<vmem>>, vector<1000x2560xf32>,
    %get3A_8 = arith.constant 0 : index
    %get3A_9 = arith.constant 0 : index
    %get3A_10 = vector.load %arg3[%get3A_8, %get3A_9] : memref<128x128xf32, #tpu.memory_space<vmem>>, vector<128x128xf32>
    %dot_general3A_11 = arith.constant dense<0.000000e+00> : vector<1000x128xf32>
    %dot_general3A_12 = tpu.matmul %get3A_1, %get3A_10, %dot_general3A_11 {dimension_numbers = #tpu.dot_dimension_numbers<[1], [0], [0], [1], [0, 0, 1, 1], [], []>, transpose_lhs_hint = false} : vector<1000x128xf32>, vector<128x128xf32>, vector<1000x128xf32> -> vector<1000x128xf32>
    %get3A_13 = arith.constant 0 : index
    %get3A_14 = arith.constant 0 : index
    %get3A_15 = vector.load %arg4[%get3A_13, %get3A_14] : memref<1x128xf32, #tpu.memory_space<vmem>>, vector<1x128xf32>
    %add3A = vector.broadcast %get3A_15 : vector<1x128xf32> to vector<1000x128xf32>
    %add3A_16 = arith.addf %dot_general3A_12, %add3A : vector<1000x128xf32>
    %swap3A_17 = arith.constant 0 : index
    %swap3A_18 = arith.constant 0 : index
    %swap3A_19 = vector.load %arg6[%swap3A_17, %swap3A_18] : memref<1000x128xf32, #tpu.memory_space<vmem>>, vector<1000x128xf32>
    tpu.vector_store %arg6[%swap3A_17, %swap3A_18], %add3A_16 {strides = array<i32>} : memref<1000x128xf32, #tpu.memory_space<vmem>>, vector<1000x128xf32>,
    return
  }
  func.func @transform_0(%arg0: i32) -> (i32, i32) {
    %c0_i32 = arith.constant 0 : i32
    %c0_i32_0 = arith.constant 0 : i32
    return %arg0, %c0_i32 : i32, i32
  }
  func.func @transform_1(%arg0: i32) -> (i32, i32) {
    %c0_i32 = arith.constant 0 : i32
    %c0_i32_0 = arith.constant 0 : i32
    %c0_i32_1 = arith.constant 0 : i32
    return %c0_i32, %c0_i32_0 : i32, i32
  }
  func.func @transform_2(%arg0: i32) -> (i32, i32) {
    %c0_i32 = arith.constant 0 : i32
    %c0_i32_0 = arith.constant 0 : i32
    %c0_i32_1 = arith.constant 0 : i32
    return %c0_i32, %c0_i32_0 : i32, i32
  }
  func.func @transform_3(%arg0: i32) -> (i32, i32) {
    %c0_i32 = arith.constant 0 : i32
    %c0_i32_0 = arith.constant 0 : i32
    %c0_i32_1 = arith.constant 0 : i32
    return %c0_i32, %c0_i32_0 : i32, i32
  }
  func.func @transform_4(%arg0: i32) -> (i32, i32) {
    %c0_i32 = arith.constant 0 : i32
    %c0_i32_0 = arith.constant 0 : i32
    return %arg0, %c0_i32 : i32, i32
  }
  func.func @transform_5(%arg0: i32) -> (i32, i32) {
    %c0_i32 = arith.constant 0 : i32
    %c0_i32_0 = arith.constant 0 : i32
    return %arg0, %c0_i32 : i32, i32
  }
}

module attributes {stable_mosaic.version = 14 : i64} {
  func.func @body(%arg0: i32, %arg1: memref<1000x128xf32, #tpu.memory_space<vmem>>, %arg2: memref<128x1280xf32, #tpu.memory_space<vmem>>, %arg3: memref<128x64xf32, #tpu.memory_space<vmem>>, %arg4: memref<1x64xf32, #tpu.memory_space<vmem>>, %arg5: memref<1000x1280xf32, #tpu.memory_space<vmem>>, %arg6: memref<1000x64xf32, #tpu.memory_space<vmem>>) attributes {dimension_semantics = [#tpu.dimension_semantics<arbitrary>], iteration_bounds = array<i64: 10>, scalar_prefetch = 0 : i64, scratch_operands = 0 : i64, tpu.core_type = #tpu.core_type<tc>, window_params = [{transform_indices = @transform_0, window_bounds = array<i64: 1000, 128>}, {pipeline_mode = #tpu.pipeline_mode<synchronous>, transform_indices = @transform_1, window_bounds = array<i64: 128, 1280>}, {pipeline_mode = #tpu.pipeline_mode<synchronous>, transform_indices = @transform_2, window_bounds = array<i64: 128, 64>}, {pipeline_mode = #tpu.pipeline_mode<synchronous>, transform_indices = @transform_3, window_bounds = array<i64: 1, 64>}, {transform_indices = @transform_4, window_bounds = array<i64: 1000, 1280>}, {transform_indices = @transform_5, window_bounds = array<i64: 1000, 64>}]} {
    %get3A = arith.constant 0 : index
    %get3A_0 = arith.constant 0 : index
    %get3A_1 = vector.load %arg1[%get3A, %get3A_0] : memref<1000x128xf32, #tpu.memory_space<vmem>>, vector<1000x128xf32>
    %get3A_2 = arith.constant 0 : index
    %get3A_3 = arith.constant 0 : index
    %get3A_4 = vector.load %arg2[%get3A_2, %get3A_3] : memref<128x1280xf32, #tpu.memory_space<vmem>>, vector<128x1280xf32>
    %dot_general3A = arith.constant dense<0.000000e+00> : vector<1000x1280xf32>
    %dot_general3A_5 = tpu.matmul %get3A_1, %get3A_4, %dot_general3A {dimension_numbers = #tpu.dot_dimension_numbers<[1], [0], [0], [1], [0, 0, 1, 1], [], []>, transpose_lhs_hint = false} : vector<1000x128xf32>, vector<128x1280xf32>, vector<1000x1280xf32> -> vector<1000x1280xf32>
    %swap3A = arith.constant 0 : index
    %swap3A_6 = arith.constant 0 : index
    %swap3A_7 = vector.load %arg5[%swap3A, %swap3A_6] : memref<1000x1280xf32, #tpu.memory_space<vmem>>, vector<1000x1280xf32>
    tpu.vector_store %arg5[%swap3A, %swap3A_6], %dot_general3A_5 {strides = array<i32>} : memref<1000x1280xf32, #tpu.memory_space<vmem>>, vector<1000x1280xf32>,
    %get3A_8 = arith.constant 0 : index
    %get3A_9 = arith.constant 0 : index
    %get3A_10 = vector.load %arg3[%get3A_8, %get3A_9] : memref<128x64xf32, #tpu.memory_space<vmem>>, vector<128x64xf32>
    %dot_general3A_11 = arith.constant dense<0.000000e+00> : vector<1000x64xf32>
    %dot_general3A_12 = tpu.matmul %get3A_1, %get3A_10, %dot_general3A_11 {dimension_numbers = #tpu.dot_dimension_numbers<[1], [0], [0], [1], [0, 0, 1, 1], [], []>, transpose_lhs_hint = false} : vector<1000x128xf32>, vector<128x64xf32>, vector<1000x64xf32> -> vector<1000x64xf32>
    %get3A_13 = arith.constant 0 : index
    %get3A_14 = arith.constant 0 : index
    %get3A_15 = vector.load %arg4[%get3A_13, %get3A_14] : memref<1x64xf32, #tpu.memory_space<vmem>>, vector<1x64xf32>
    %add3A = vector.broadcast %get3A_15 : vector<1x64xf32> to vector<1000x64xf32>
    %add3A_16 = arith.addf %dot_general3A_12, %add3A : vector<1000x64xf32>
    %swap3A_17 = arith.constant 0 : index
    %swap3A_18 = arith.constant 0 : index
    %swap3A_19 = vector.load %arg6[%swap3A_17, %swap3A_18] : memref<1000x64xf32, #tpu.memory_space<vmem>>, vector<1000x64xf32>
    tpu.vector_store %arg6[%swap3A_17, %swap3A_18], %add3A_16 {strides = array<i32>} : memref<1000x64xf32, #tpu.memory_space<vmem>>, vector<1000x64xf32>,
    return
  }
  func.func @transform_0(%arg0: i32) -> (i32, i32) {
    %c0_i32 = arith.constant 0 : i32
    %c0_i32_0 = arith.constant 0 : i32
    return %arg0, %c0_i32 : i32, i32
  }
  func.func @transform_1(%arg0: i32) -> (i32, i32) {
    %c0_i32 = arith.constant 0 : i32
    %c0_i32_0 = arith.constant 0 : i32
    %c0_i32_1 = arith.constant 0 : i32
    return %c0_i32, %c0_i32_0 : i32, i32
  }
  func.func @transform_2(%arg0: i32) -> (i32, i32) {
    %c0_i32 = arith.constant 0 : i32
    %c0_i32_0 = arith.constant 0 : i32
    %c0_i32_1 = arith.constant 0 : i32
    return %c0_i32, %c0_i32_0 : i32, i32
  }
  func.func @transform_3(%arg0: i32) -> (i32, i32) {
    %c0_i32 = arith.constant 0 : i32
    %c0_i32_0 = arith.constant 0 : i32
    %c0_i32_1 = arith.constant 0 : i32
    return %c0_i32, %c0_i32_0 : i32, i32
  }
  func.func @transform_4(%arg0: i32) -> (i32, i32) {
    %c0_i32 = arith.constant 0 : i32
    %c0_i32_0 = arith.constant 0 : i32
    return %arg0, %c0_i32 : i32, i32
  }
  func.func @transform_5(%arg0: i32) -> (i32, i32) {
    %c0_i32 = arith.constant 0 : i32
    %c0_i32_0 = arith.constant 0 : i32
    return %arg0, %c0_i32 : i32, i32
  }
}

module attributes {stable_mosaic.version = 14 : i64} {
  func.func @body(%arg0: i32, %arg1: memref<2x1000x128xf32, #tpu.memory_space<vmem>>, %arg2: memref<1000x128xf32, #tpu.memory_space<vmem>>, %arg3: memref<1000x128xf32, #tpu.memory_space<vmem>>) attributes {dimension_semantics = [#tpu.dimension_semantics<arbitrary>], iteration_bounds = array<i64: 10>, scalar_prefetch = 0 : i64, scratch_operands = 0 : i64, tpu.core_type = #tpu.core_type<tc>, window_params = [{transform_indices = @transform_0, window_bounds = array<i64: 2, 1000, 128>}, {transform_indices = @transform_1, window_bounds = array<i64: 1000, 128>}, {transform_indices = @transform_2, window_bounds = array<i64: 1000, 128>}]} {
    %get3A = arith.constant 0 : index
    %get3A_0 = arith.constant 0 : index
    %get3A_1 = arith.constant 0 : index
    %get3A_2 = vector.load %arg1[%get3A, %get3A_0, %get3A_1] : memref<2x1000x128xf32, #tpu.memory_space<vmem>>, vector<1x1000x128xf32>
    %get3A_3 = vector.shape_cast %get3A_2 : vector<1x1000x128xf32> to vector<1000x128xf32>
    %get3A_4 = arith.constant 1 : index
    %get3A_5 = arith.constant 0 : index
    %get3A_6 = arith.constant 0 : index
    %get3A_7 = vector.load %arg1[%get3A_4, %get3A_5, %get3A_6] : memref<2x1000x128xf32, #tpu.memory_space<vmem>>, vector<1x1000x128xf32>
    %get3A_8 = vector.shape_cast %get3A_7 : vector<1x1000x128xf32> to vector<1000x128xf32>
    %add3A = arith.addf %get3A_3, %get3A_8 : vector<1000x128xf32>
    %get3A_9 = arith.constant 0 : index
    %get3A_10 = arith.constant 0 : index
    %get3A_11 = vector.load %arg2[%get3A_9, %get3A_10] : memref<1000x128xf32, #tpu.memory_space<vmem>>, vector<1000x128xf32>
    %add3A_12 = arith.addf %add3A, %get3A_11 : vector<1000x128xf32>
    %max3A = arith.constant 0.000000e+00 : f32
    %max3A_13 = vector.broadcast %max3A : f32 to vector<1000x128xf32>
    %max3A_14 = arith.maximumf %add3A_12, %max3A_13 : vector<1000x128xf32>
    %swap3A = arith.constant 0 : index
    %swap3A_15 = arith.constant 0 : index
    %swap3A_16 = vector.load %arg3[%swap3A, %swap3A_15] : memref<1000x128xf32, #tpu.memory_space<vmem>>, vector<1000x128xf32>
    tpu.vector_store %arg3[%swap3A, %swap3A_15], %max3A_14 {strides = array<i32>} : memref<1000x128xf32, #tpu.memory_space<vmem>>, vector<1000x128xf32>,
    return
  }
  func.func @transform_0(%arg0: i32) -> (i32, i32, i32) {
    %c0_i32 = arith.constant 0 : i32
    %c0_i32_0 = arith.constant 0 : i32
    %c0_i32_1 = arith.constant 0 : i32
    return %c0_i32, %arg0, %c0_i32_0 : i32, i32, i32
  }
  func.func @transform_1(%arg0: i32) -> (i32, i32) {
    %c0_i32 = arith.constant 0 : i32
    %c0_i32_0 = arith.constant 0 : i32
    return %arg0, %c0_i32 : i32, i32
  }
  func.func @transform_2(%arg0: i32) -> (i32, i32) {
    %c0_i32 = arith.constant 0 : i32
    %c0_i32_0 = arith.constant 0 : i32
    return %arg0, %c0_i32 : i32, i32
  }
}

module attributes {stable_mosaic.version = 14 : i64} {
  func.func @body(%arg0: i32, %arg1: memref<2x1000x64xf32, #tpu.memory_space<vmem>>, %arg2: memref<1000x64xf32, #tpu.memory_space<vmem>>, %arg3: memref<1000x64xf32, #tpu.memory_space<vmem>>) attributes {dimension_semantics = [#tpu.dimension_semantics<arbitrary>], iteration_bounds = array<i64: 10>, scalar_prefetch = 0 : i64, scratch_operands = 0 : i64, tpu.core_type = #tpu.core_type<tc>, window_params = [{transform_indices = @transform_0, window_bounds = array<i64: 2, 1000, 64>}, {transform_indices = @transform_1, window_bounds = array<i64: 1000, 64>}, {transform_indices = @transform_2, window_bounds = array<i64: 1000, 64>}]} {
    %get3A = arith.constant 0 : index
    %get3A_0 = arith.constant 0 : index
    %get3A_1 = arith.constant 0 : index
    %get3A_2 = vector.load %arg1[%get3A, %get3A_0, %get3A_1] : memref<2x1000x64xf32, #tpu.memory_space<vmem>>, vector<1x1000x64xf32>
    %get3A_3 = vector.shape_cast %get3A_2 : vector<1x1000x64xf32> to vector<1000x64xf32>
    %get3A_4 = arith.constant 1 : index
    %get3A_5 = arith.constant 0 : index
    %get3A_6 = arith.constant 0 : index
    %get3A_7 = vector.load %arg1[%get3A_4, %get3A_5, %get3A_6] : memref<2x1000x64xf32, #tpu.memory_space<vmem>>, vector<1x1000x64xf32>
    %get3A_8 = vector.shape_cast %get3A_7 : vector<1x1000x64xf32> to vector<1000x64xf32>
    %add3A = arith.addf %get3A_3, %get3A_8 : vector<1000x64xf32>
    %get3A_9 = arith.constant 0 : index
    %get3A_10 = arith.constant 0 : index
    %get3A_11 = vector.load %arg2[%get3A_9, %get3A_10] : memref<1000x64xf32, #tpu.memory_space<vmem>>, vector<1000x64xf32>
    %add3A_12 = arith.addf %add3A, %get3A_11 : vector<1000x64xf32>
    %max3A = arith.constant 0.000000e+00 : f32
    %max3A_13 = vector.broadcast %max3A : f32 to vector<1000x64xf32>
    %max3A_14 = arith.maximumf %add3A_12, %max3A_13 : vector<1000x64xf32>
    %swap3A = arith.constant 0 : index
    %swap3A_15 = arith.constant 0 : index
    %swap3A_16 = vector.load %arg3[%swap3A, %swap3A_15] : memref<1000x64xf32, #tpu.memory_space<vmem>>, vector<1000x64xf32>
    tpu.vector_store %arg3[%swap3A, %swap3A_15], %max3A_14 {strides = array<i32>} : memref<1000x64xf32, #tpu.memory_space<vmem>>, vector<1000x64xf32>,
    return
  }
  func.func @transform_0(%arg0: i32) -> (i32, i32, i32) {
    %c0_i32 = arith.constant 0 : i32
    %c0_i32_0 = arith.constant 0 : i32
    %c0_i32_1 = arith.constant 0 : i32
    return %c0_i32, %arg0, %c0_i32_0 : i32, i32, i32
  }
  func.func @transform_1(%arg0: i32) -> (i32, i32) {
    %c0_i32 = arith.constant 0 : i32
    %c0_i32_0 = arith.constant 0 : i32
    return %arg0, %c0_i32 : i32, i32
  }
  func.func @transform_2(%arg0: i32) -> (i32, i32) {
    %c0_i32 = arith.constant 0 : i32
    %c0_i32_0 = arith.constant 0 : i32
    return %arg0, %c0_i32 : i32, i32
  }
}

module attributes {stable_mosaic.version = 14 : i64} {
  func.func @body(%arg0: i32, %arg1: memref<1000x64xf32, #tpu.memory_space<vmem>>, %arg2: memref<64x640xf32, #tpu.memory_space<vmem>>, %arg3: memref<64x32xf32, #tpu.memory_space<vmem>>, %arg4: memref<1x32xf32, #tpu.memory_space<vmem>>, %arg5: memref<1000x640xf32, #tpu.memory_space<vmem>>, %arg6: memref<1000x32xf32, #tpu.memory_space<vmem>>) attributes {dimension_semantics = [#tpu.dimension_semantics<arbitrary>], iteration_bounds = array<i64: 10>, scalar_prefetch = 0 : i64, scratch_operands = 0 : i64, tpu.core_type = #tpu.core_type<tc>, window_params = [{transform_indices = @transform_0, window_bounds = array<i64: 1000, 64>}, {pipeline_mode = #tpu.pipeline_mode<synchronous>, transform_indices = @transform_1, window_bounds = array<i64: 64, 640>}, {pipeline_mode = #tpu.pipeline_mode<synchronous>, transform_indices = @transform_2, window_bounds = array<i64: 64, 32>}, {pipeline_mode = #tpu.pipeline_mode<synchronous>, transform_indices = @transform_3, window_bounds = array<i64: 1, 32>}, {transform_indices = @transform_4, window_bounds = array<i64: 1000, 640>}, {transform_indices = @transform_5, window_bounds = array<i64: 1000, 32>}]} {
    %get3A = arith.constant 0 : index
    %get3A_0 = arith.constant 0 : index
    %get3A_1 = vector.load %arg1[%get3A, %get3A_0] : memref<1000x64xf32, #tpu.memory_space<vmem>>, vector<1000x64xf32>
    %get3A_2 = arith.constant 0 : index
    %get3A_3 = arith.constant 0 : index
    %get3A_4 = vector.load %arg2[%get3A_2, %get3A_3] : memref<64x640xf32, #tpu.memory_space<vmem>>, vector<64x640xf32>
    %dot_general3A = arith.constant dense<0.000000e+00> : vector<1000x640xf32>
    %dot_general3A_5 = tpu.matmul %get3A_1, %get3A_4, %dot_general3A {dimension_numbers = #tpu.dot_dimension_numbers<[1], [0], [0], [1], [0, 0, 1, 1], [], []>, transpose_lhs_hint = false} : vector<1000x64xf32>, vector<64x640xf32>, vector<1000x640xf32> -> vector<1000x640xf32>
    %swap3A = arith.constant 0 : index
    %swap3A_6 = arith.constant 0 : index
    %swap3A_7 = vector.load %arg5[%swap3A, %swap3A_6] : memref<1000x640xf32, #tpu.memory_space<vmem>>, vector<1000x640xf32>
    tpu.vector_store %arg5[%swap3A, %swap3A_6], %dot_general3A_5 {strides = array<i32>} : memref<1000x640xf32, #tpu.memory_space<vmem>>, vector<1000x640xf32>,
    %get3A_8 = arith.constant 0 : index
    %get3A_9 = arith.constant 0 : index
    %get3A_10 = vector.load %arg3[%get3A_8, %get3A_9] : memref<64x32xf32, #tpu.memory_space<vmem>>, vector<64x32xf32>
    %dot_general3A_11 = arith.constant dense<0.000000e+00> : vector<1000x32xf32>
    %dot_general3A_12 = tpu.matmul %get3A_1, %get3A_10, %dot_general3A_11 {dimension_numbers = #tpu.dot_dimension_numbers<[1], [0], [0], [1], [0, 0, 1, 1], [], []>, transpose_lhs_hint = false} : vector<1000x64xf32>, vector<64x32xf32>, vector<1000x32xf32> -> vector<1000x32xf32>
    %get3A_13 = arith.constant 0 : index
    %get3A_14 = arith.constant 0 : index
    %get3A_15 = vector.load %arg4[%get3A_13, %get3A_14] : memref<1x32xf32, #tpu.memory_space<vmem>>, vector<1x32xf32>
    %add3A = vector.broadcast %get3A_15 : vector<1x32xf32> to vector<1000x32xf32>
    %add3A_16 = arith.addf %dot_general3A_12, %add3A : vector<1000x32xf32>
    %swap3A_17 = arith.constant 0 : index
    %swap3A_18 = arith.constant 0 : index
    %swap3A_19 = vector.load %arg6[%swap3A_17, %swap3A_18] : memref<1000x32xf32, #tpu.memory_space<vmem>>, vector<1000x32xf32>
    tpu.vector_store %arg6[%swap3A_17, %swap3A_18], %add3A_16 {strides = array<i32>} : memref<1000x32xf32, #tpu.memory_space<vmem>>, vector<1000x32xf32>,
    return
  }
  func.func @transform_0(%arg0: i32) -> (i32, i32) {
    %c0_i32 = arith.constant 0 : i32
    %c0_i32_0 = arith.constant 0 : i32
    return %arg0, %c0_i32 : i32, i32
  }
  func.func @transform_1(%arg0: i32) -> (i32, i32) {
    %c0_i32 = arith.constant 0 : i32
    %c0_i32_0 = arith.constant 0 : i32
    %c0_i32_1 = arith.constant 0 : i32
    return %c0_i32, %c0_i32_0 : i32, i32
  }
  func.func @transform_2(%arg0: i32) -> (i32, i32) {
    %c0_i32 = arith.constant 0 : i32
    %c0_i32_0 = arith.constant 0 : i32
    %c0_i32_1 = arith.constant 0 : i32
    return %c0_i32, %c0_i32_0 : i32, i32
  }
  func.func @transform_3(%arg0: i32) -> (i32, i32) {
    %c0_i32 = arith.constant 0 : i32
    %c0_i32_0 = arith.constant 0 : i32
    %c0_i32_1 = arith.constant 0 : i32
    return %c0_i32, %c0_i32_0 : i32, i32
  }
  func.func @transform_4(%arg0: i32) -> (i32, i32) {
    %c0_i32 = arith.constant 0 : i32
    %c0_i32_0 = arith.constant 0 : i32
    return %arg0, %c0_i32 : i32, i32
  }
  func.func @transform_5(%arg0: i32) -> (i32, i32) {
    %c0_i32 = arith.constant 0 : i32
    %c0_i32_0 = arith.constant 0 : i32
    return %arg0, %c0_i32 : i32, i32
  }
}

module attributes {stable_mosaic.version = 14 : i64} {
  func.func @body(%arg0: i32, %arg1: memref<2x1000x32xf32, #tpu.memory_space<vmem>>, %arg2: memref<1000x32xf32, #tpu.memory_space<vmem>>, %arg3: memref<1000x32xf32, #tpu.memory_space<vmem>>) attributes {dimension_semantics = [#tpu.dimension_semantics<arbitrary>], iteration_bounds = array<i64: 10>, scalar_prefetch = 0 : i64, scratch_operands = 0 : i64, tpu.core_type = #tpu.core_type<tc>, window_params = [{transform_indices = @transform_0, window_bounds = array<i64: 2, 1000, 32>}, {transform_indices = @transform_1, window_bounds = array<i64: 1000, 32>}, {transform_indices = @transform_2, window_bounds = array<i64: 1000, 32>}]} {
    %get3A = arith.constant 0 : index
    %get3A_0 = arith.constant 0 : index
    %get3A_1 = arith.constant 0 : index
    %get3A_2 = vector.load %arg1[%get3A, %get3A_0, %get3A_1] : memref<2x1000x32xf32, #tpu.memory_space<vmem>>, vector<1x1000x32xf32>
    %get3A_3 = vector.shape_cast %get3A_2 : vector<1x1000x32xf32> to vector<1000x32xf32>
    %get3A_4 = arith.constant 1 : index
    %get3A_5 = arith.constant 0 : index
    %get3A_6 = arith.constant 0 : index
    %get3A_7 = vector.load %arg1[%get3A_4, %get3A_5, %get3A_6] : memref<2x1000x32xf32, #tpu.memory_space<vmem>>, vector<1x1000x32xf32>
    %get3A_8 = vector.shape_cast %get3A_7 : vector<1x1000x32xf32> to vector<1000x32xf32>
    %add3A = arith.addf %get3A_3, %get3A_8 : vector<1000x32xf32>
    %get3A_9 = arith.constant 0 : index
    %get3A_10 = arith.constant 0 : index
    %get3A_11 = vector.load %arg2[%get3A_9, %get3A_10] : memref<1000x32xf32, #tpu.memory_space<vmem>>, vector<1000x32xf32>
    %add3A_12 = arith.addf %add3A, %get3A_11 : vector<1000x32xf32>
    %swap3A = arith.constant 0 : index
    %swap3A_13 = arith.constant 0 : index
    %swap3A_14 = vector.load %arg3[%swap3A, %swap3A_13] : memref<1000x32xf32, #tpu.memory_space<vmem>>, vector<1000x32xf32>
    tpu.vector_store %arg3[%swap3A, %swap3A_13], %add3A_12 {strides = array<i32>} : memref<1000x32xf32, #tpu.memory_space<vmem>>, vector<1000x32xf32>,
    return
  }
  func.func @transform_0(%arg0: i32) -> (i32, i32, i32) {
    %c0_i32 = arith.constant 0 : i32
    %c0_i32_0 = arith.constant 0 : i32
    %c0_i32_1 = arith.constant 0 : i32
    return %c0_i32, %arg0, %c0_i32_0 : i32, i32, i32
  }
  func.func @transform_1(%arg0: i32) -> (i32, i32) {
    %c0_i32 = arith.constant 0 : i32
    %c0_i32_0 = arith.constant 0 : i32
    return %arg0, %c0_i32 : i32, i32
  }
  func.func @transform_2(%arg0: i32) -> (i32, i32) {
    %c0_i32 = arith.constant 0 : i32
    %c0_i32_0 = arith.constant 0 : i32
    return %arg0, %c0_i32 : i32, i32
  }
}

</mosaic_0001>

<sc_bundles>
// kernel: kernel.11.cloned.1.call-start
scs
__scs_entry_jumppad:
0x0: {  	(pc) =	sbr.rel $0x88, $3  }
0x1: {  	(tag) =	ssettag $0x0;
	lr =	simm.s32 $0x1  }
0x2: {  	[smem:$0x3F95] =	sst lr;
	_ =	strace $0xD0000000  }
0x3: {  	_ = 	snop  }
0x4: {  	_ = 	snop  }
0x5: {  	_ = 	snop  }
0x6: {  	_ = 	snop  }
0x7: {  	_ = 	snop  }
__scs_overlays_trampoline_lowered:
0x8: {  	[smem:$0x3FA4] =	sst s0  }
0x9: {  	[smem:$0x3FA5] =	sst s1  }
0xa: {  	[smem:$0x3FA6] =	sst s2  }
0xb: {  	[smem:$0x3FA7] =	sst s3  }
0xc: {  	[smem:$0x3FA8] =	sst s4  }
0xd: {  	[smem:$0x3FA9] =	sst s5  }
0xe: {  	[smem:$0x3FAA] =	sst s6  }
0xf: {  	[smem:$0x3FAB] =	sst s7  }
0x10: {  	[smem:$0x3FAC] =	sst s8  }
0x11: {  	[smem:$0x3FAD] =	sst s9;
	s0 =	simm.s32 @!p0 $0x0  }
0x12: {  	s1 =	sld [smem:$0x3F93];
	s0 =	simm.s32 @p0 $0x1  }
0x13: {  	[smem:$0x3FAE] =	sst s0;
	s0 =	simm.s32 @!p1 $0x0  }
0x14: {  	s2 =	sld [smem:$0x3F92];
	s0 =	simm.s32 @p1 $0x1  }
0x15: {  	[smem:$0x3FAF] =	sst s0;
	s0 =	simm.s32 @!p2 $0x0  }
0x16: {  	s3 =	sld [smem:$0x3FDB];
	s0 =	simm.s32 @p2 $0x1  }
0x17: {  	s4 =	simm.s32 $0x1BF5;
	[smem:$0x3FB1] =	sst s0  }
0x18: {  	s0 =	sld [smem:$0x3F94];
	_ =	swait.ge [sflag:s4], $0x0  }
0x19: {  	s7 =	sld [smem:$0x3F95]  }
0x1a: {  	s8 =	sadd.s32 $0xFFFFE003, lr  }
0x1b: {  	s9 =	sadd.s32 $0xFFFFFEF7, lr;
	s5 =	simm.s32 $0xFFFFFFFF;
	p2 =	slt.u32 s8, $0xFFFFF086  }
0x1c: {  	p1 =	slt.u32 s9, $0xF7A;
	s5 =	simm.s32 @!p2 $0x0  }
0x1d: {  	s5 =	simm.s32 @p1 $0x1;
	p0 =	seq.s32 s7, s2  }
0x1e: {  	s7 =	smul.u32 @!p0 $0xF7A, s2;
	p2 =	seq.s32 @!p0 s5, $0x0  }
0x1f: {  	s9 =	smul.u32 $0xF7A, s1;
	s8 =	simm.s32 @!p0 $0x1BF5;
	p2 =	por !p2, p0  }
0x20: {  	[sflag:s8] =	ssyncset.s32 @!p0 $0xFFFFF086;
	s6 =	sadd.s32 @!p0 s3, s7;
	s7 =	simm.s32 @!p0 $0x108  }
0x21: {  	s3 =	sadd.s32 s3, s9;
	s6 =	sadd.s32 @!p0 $0x88, s6;
	s7 =	simm.s32 @p2 $0x1082  }
0x22: {  	[simem:s7], [sflag:s8] =	dma.local @!p0 [hbm:s6], $0xF7A  }
0x23: {  	s9 =	sor.u32 $0xD0000000, s2;
	s6 =	simm.s32 $0x108;
	_ =	swait.ge @!p0 [sflag:s8], $0x0  }
0x24: {  	s3 =	sadd.s32 $0x88, s3;
	s6 =	simm.s32 @!p1 $0x1082;
	[sflag:s4] =	ssyncset.s32 $0xFFFFF086  }
0x25: {  	[simem:s6], [sflag:s4] =	dma.local [hbm:s3], $0xF7A  }
0x26: {  	[smem:$0x3F95] =	sst s1;
	(tag) =	ssettag s2;
	_ =	strace s9  }
0x27: {  	s1 =	sld [smem:$0x3FA5]  }
0x28: {  	s2 =	sld [smem:$0x3FA6]  }
0x29: {  	s4 =	sld [smem:$0x3FA8]  }
0x2a: {  	p0 =	seq.s32 s5, $0x0;
	s5 =	sld [smem:$0x3FA9]  }
0x2b: {  	s6 =	sld [smem:$0x3FAA]  }
0x2c: {  	s7 =	sld [smem:$0x3FAB]  }
0x2d: {  	s3 =	simm.s32 $0x108;
	s8 =	sld [smem:$0x3FAC]  }
0x2e: {  	s3 =	simm.s32 @!p0 $0x1082;
	s9 =	sld [smem:$0x3FAD]  }
0x2f: {  	lr =	sadd.s32 s0, s3;
	s0 =	sld [smem:$0x3FA4]  }
0x30: {  	s3 =	sld [smem:$0x3FA7]  }
0x31: {  	[smem:$0x3FB0] =	sst s10  }
0x32: {  	s10 =	sld [smem:$0x3FAE];
	_ =	sdelay $0x3  }
0x33: {  	p0 =	seq.s32 s10, $0x1;
	s10 =	sld [smem:$0x3FB0];
	_ =	sdelay $0x3  }
0x34: {  	[smem:$0x3FB0] =	sst s10  }
0x35: {  	s10 =	sld [smem:$0x3FAF];
	_ =	sdelay $0x3  }
0x36: {  	p1 =	seq.s32 s10, $0x1;
	s10 =	sld [smem:$0x3FB0];
	_ =	sdelay $0x3  }
0x37: {  	[smem:$0x3FB0] =	sst s10  }
0x38: {  	s10 =	sld [smem:$0x3FB1]  }
0x39: {  	_ = 	snop;
	(pc) =	sbr.ind lr, $3  }
0x3a: {  	_ = 	snop  }
0x3b: {  	_ = 	snop  }
0x3c: {  	p2 =	seq.s32 s10, $0x1;
	s10 =	sld [smem:$0x3FB0]  }
0x3d: {  	_ =	shalt  }
0x3e: {  	_ =	shalt  }
0x3f: {  	_ =	shalt  }
0x40: {  	_ =	shalt  }
0x41: {  	_ =	shalt  }
0x42: {  	_ =	shalt  }
0x43: {  	_ =	shalt  }
0x44: {  	_ =	shalt  }
0x45: {  	_ =	shalt  }
0x46: {  	_ =	shalt  }
0x47: {  	_ =	shalt  }
0x48: {  	_ =	shalt  }
0x49: {  	_ =	shalt  }
0x4a: {  	_ =	shalt  }
0x4b: {  	_ =	shalt  }
0x4c: {  	_ =	shalt  }
0x4d: {  	_ =	shalt  }
0x4e: {  	_ =	shalt  }
0x4f: {  	_ =	shalt  }
0x50: {  	_ =	shalt  }
0x51: {  	_ =	shalt  }
0x52: {  	_ =	shalt  }
0x53: {  	_ =	shalt  }
0x54: {  	_ =	shalt  }
0x55: {  	_ =	shalt  }
0x56: {  	_ =	shalt  }
0x57: {  	_ =	shalt  }
0x58: {  	_ =	shalt  }
0x59: {  	_ =	shalt  }
0x5a: {  	_ =	shalt  }
0x5b: {  	_ =	shalt  }
0x5c: {  	_ =	shalt  }
0x5d: {  	_ =	shalt  }
0x5e: {  	_ =	shalt  }
0x5f: {  	_ =	shalt  }
0x60: {  	_ =	shalt  }
0x61: {  	_ =	shalt  }
0x62: {  	_ =	shalt  }
0x63: {  	_ =	shalt  }
0x64: {  	_ =	shalt  }
0x65: {  	_ =	shalt  }
0x66: {  	_ =	shalt  }
0x67: {  	_ =	shalt  }
0x68: {  	_ =	shalt  }
0x69: {  	_ =	shalt  }
0x6a: {  	_ =	shalt  }
0x6b: {  	_ =	shalt  }
0x6c: {  	_ =	shalt  }
0x6d: {  	_ =	shalt  }
0x6e: {  	_ =	shalt  }
0x6f: {  	_ =	shalt  }
0x70: {  	_ =	shalt  }
0x71: {  	_ =	shalt  }
0x72: {  	_ =	shalt  }
0x73: {  	_ =	shalt  }
0x74: {  	_ =	shalt  }
0x75: {  	_ =	shalt  }
0x76: {  	_ =	shalt  }
0x77: {  	_ =	shalt  }
0x78: {  	_ =	shalt  }
0x79: {  	_ =	shalt  }
0x7a: {  	_ =	shalt  }
0x7b: {  	_ =	shalt  }
0x7c: {  	_ =	shalt  }
0x7d: {  	_ =	shalt  }
0x7e: {  	_ =	shalt  }
0x7f: {  	_ =	shalt  }
0x80: {  	_ =	shalt  }
0x81: {  	_ =	shalt  }
0x82: {  	_ =	shalt  }
0x83: {  	_ =	shalt  }
0x84: {  	_ =	shalt  }
0x85: {  	_ =	shalt  }
0x86: {  	_ =	shalt  }
0x87: {  	_ =	shalt  }
.Lfunc_end0:
.L_simem_size_0:
called_computation_lowered:
.L_overlay_start_0:
0x88: {  	s2 =	sld [smem:$0x3FD9]  }
0x89: {  	s3 =	sld [smem:$0x3FFE];
	_ =	sdelay $0x1  }
0x8a: {  	s1 =	srdreg.scid  }
0x8b: {  	s0 =	sand.u32 $0x1, s1  }
0x8c: {  	s17 =	sshll.u32 s0, $0xA;
	s2 =	sadd.s32 s3, s2  }
0x8d: {  	s2 =	sadd.s32 s2, s17  }
0x8e: {  	[smem:$0x3FBC] =	sst s2  }
0x8f: {  	_ = 	snop  }
0x90: {  	s2 =	sld [smem:$0x3FD0];
	(tm) =	ssettm $0x1  }
0x91: {  	s18 =	sld [smem:$0x3FFB];
	_ =	sdelay $0x3  }
0x92: {  	_ =	strace s18  }
0x93: {  	s3 =	sld [smem:$0x3FFC];
	_ =	sdelay $0x3  }
0x94: {  	_ =	strace s3  }
0x95: {  	s3 =	sld [smem:$0x3FFD];
	_ =	sdelay $0x3  }
0x96: {  	_ =	strace s3  }
0x97: {  	_ =	strace $0x8FFFFFFF  }
0x98: {  	s19 =	sld [smem:$0x3FDB];
	_ =	sdelay $0x1  }
0x99: {  	s4 =	simm.s32 $_scs_section_size  }
0x9a: {  	s5 =	simm.s32 $_size__tile_overlayer_lowered;
	s6 =	simm.s32 $_tile_overlayer_lowered  }
0x9b: {  	s22 =	simm.s32 $0x1BFF;
	s21 =	sshll.u32 s6, $0x1;
	s3 =	sadd.s32 s4, s19  }
0x9c: {  	s7 =	simm.s32 $0x0;
	s20 =	sshll.u32 s5, $0x1;
	s5 =	sadd.s32 s21, s3  }
0x9d: {  	[timem:s7], [sflag:s22] =	dma.local [hbm:s5], s20  }
0x9e: {  	_ =	swait.ge [sflag:s22], s20  }
0x9f: {  	s4 =	ssub.s32 $0x0, s20;
	[sflag:s22] =	ssyncset.done $0x0  }
0xa0: {  	[sflag:s22] =	ssyncadd.s32 s4;
	_ =	sdelay $0x1  }
0xa1: {  	s23 =	simm.s32 $0x1B8B  }
0xa2: {  	_ =	swait.ge [sflag:s23], $0x1  }
0xa3: {  	[sflag:s23] =	ssyncset.done $0x0  }
0xa4: {  	s25 =	simm.s32 $0x1B8E;
	s24 =	sld [smem:$0x3FFE];
	[sflag:s23] =	ssyncadd.s32 $0xFFFFFFFF  }
0xa5: {  	s26 =	simm.s32 $execute0_lowered;
	[smem:$0x3FD2] =	sst s25  }
0xa6: {  	s5 =	sshll.u32 s26, $0x1;
	_ =	strace $0x80000046;
	[dreg:$0x1] =	wrdreg $0xFFFFFFFF  }
0xa7: {  	s28 =	simm.s32 $_size_execute0_lowered;
	s3 =	sadd.s32 s3, s5;
	[dreg:$0x0] =	wrdreg $0x0  }
0xa8: {  	s5 =	sshll.u32 s28, $0x1;
	[dreg:$0x2] =	wrdreg s3  }
0xa9: {  	[dreg:$0x3] =	wrdreg s5  }
0xaa: {  	[dreg:$0x4] =	wrdreg $0xC0  }
0xab: {  	_ =	task [dreg:s7], $0x5FFFF  }
0xac: {  	[dreg:$0x1] =	wrdreg $0xFFFFFFFF  }
0xad: {  	[dreg:$0x0] =	wrdreg $0x60  }
0xae: {  	[dreg:$0x2] =	wrdreg s24  }
0xaf: {  	[dreg:$0x3] =	wrdreg s2  }
0xb0: {  	[dreg:$0x4] =	wrdreg $0x76200  }
0xb1: {  	[dreg:$0x5] =	wrdreg $0x9  }
0xb2: {  	_ =	task.clear_ibuf [dreg:s7], $0x6FFFF;
	_ =	strace $0x90000046  }
0xb3: {  	s29 =	simm.s32 $0x9;
	_ =	strace $0x80000048  }
0xb4: {  	_ =	swait.ge [sflag:s29], $0x1  }
0xb5: {  	[sflag:s29] =	ssyncadd.s32 $0xFFFFFFFF  }
0xb6: {  	_ =	strace $0x90000048  }
0xb7: {  	_ =	sfence  }
0xb8: {  	s30 =	sld [smem:$0x0];
	_ =	sdelay $0x2  }
0xb9: {  	s31 =	sshll.u32 s1, $0xD;
	s1 =	sshrl.u32 s1, $0x2  }
0xba: {  	s3 =	sand.u32 $0x4000, s31;
	s1 =	sadd.s32 s1, s30  }
0xbb: {  	s0 =	sor.u32 s3, s0;
	s1 =	sshll.u32 s1, $0x11  }
0xbc: {  	s0 =	sor.u32 s1, s0  }
0xbd: {  	s0 =	sadd.s32 $0x8F2B, s0  }
0xbe: {  	[sflag:s0] =	ssyncadd.remote.s32 $0x1  }
0xbf: {  	_ =	sfence.sel $0xFFFF  }
0xc0: {  	[dreg:$0x0] =	wrdreg $0xFFFFFFFF;
	(pc) =	sbr.abs _section_cstart, $3  }
0xc1: {  	[dreg:$0x1] =	wrdreg $0xFFFFFFFF  }
0xc2: {  	_ =	task.clear_ibuf [dreg:s7], $0x2FFFF;
	_ =	strace $0x9FFFFFFF  }
0xc3: {  	(tm) =	ssettm $0x7FFFFFFF  }
tec
execute0_lowered:
.L_overlay_start_1:
0x0: {  	(tag) =	ssettag $0x1  }
0x1: {  	s0 =	srdreg.scid;
	s5 =	rddreg [dreg:$0x0]  }
0x2: {  	s1 =	simm.s32 $0x0;
	s15 =	stileid.u32;
	s0 =	sand.u32 $0x1, s0  }
0x3: {  	[smem:$0x7FF] =	sst s1;
	s7 =	sadd.s32 $0xD000, s5;
	s26 =	smul.u32 $0x2800, s15  }
0x4: {  	s10 =	sor.u32 $0x10, s15;
	s11 =	sor.u32 $0x20, s15;
	s9 =	smul.u32 $0x138800, s0  }
0x5: {  	s17 =	sor.u32 $0x30, s15;
	s18 =	sor.u32 $0x40, s15;
	s28 =	smul.u32 $0x2800, s10  }
0x6: {  	s19 =	sor.u32 $0x50, s15;
	s20 =	sor.u32 $0x60, s15;
	s22 =	smul.u32 $0x2800, s18  }
0x7: {  	s21 =	sor.u32 $0x70, s15;
	s2 =	sshll.u32 s0, $0x4;
	s23 =	smul.u32 $0x2800, s19  }
0x8: {  	s3 =	ssub.s32 $0x2, s0;
	s18 =	smul.u32 $0xA000, s18;
	s2 =	sor.u32 s15, s2  }
0x9: {  	p0 =	sgt.u32 s21, $0x7C;
	s24 =	sshrl.u32 s3, $0x1;
	s6 =	smul.u32 $0x4E2, s2  }
0xa: {  	s8 =	ssub.s32 s3, s24;
	s4 =	sadd.s32 s9, s26;
	s3 =	smul.u32 $0x2800, s11  }
0xb: {  	s13 =	sadd.s32 s9, s28;
	s12 =	sshrl.u32 s4, $0x3;
	s4 =	smul.u32 $0x2800, s17  }
0xc: {  	s0 =	sshrl.u32 s13, $0x3;
	s17 =	smul.u32 $0xA000, s17;
	s25 =	sadd.s32 s7, s12  }
0xd: {  	s2 =	sadd.s32 s9, s3;
	s16 =	sadd.s32 s7, s0;
	s0 =	sadd.s32 s9, s22  }
0xe: {  	[dreg:$0x4] =	wrdreg s25;
	s14 =	sadd.s32 s9, s4;
	s13 =	sshrl.u32 s2, $0x3  }
0xf: {  	[dreg:$0x5] =	wrdreg s16;
	s2 =	sadd.s32 s9, s23;
	s12 =	sshrl.u32 s0, $0x3  }
0x10: {  	s16 =	rddreg [dreg:$0x1];
	s14 =	sshrl.u32 s14, $0x3;
	s24 =	sadd.s32 s7, s13  }
0x11: {  	s13 =	sshrl.u32 s2, $0x3;
	s12 =	sadd.s32 s7, s12;
	s16 =	sadd.s32 s16, s6  }
0x12: {  	[dreg:$0x6] =	wrdreg s24;
	s25 =	sadd.s32 s7, s14;
	s24 =	smul.u32 $0x2800, s20  }
0x13: {  	s6 =	sadd.s32 s6, s5;
	[dreg:$0x7] =	wrdreg s25;
	s25 =	smul.u32 $0x2800, s21  }
0x14: {  	[dreg:$0x8] =	wrdreg s12;
	s14 =	sadd.s32 s7, s13;
	s0 =	sadd.s32 s9, s24  }
0x15: {  	s2 =	sadd.s32 s9, s25;
	s13 =	sshrl.u32 s0, $0x3;
	s0 =	smul.u32 $0xA000, s19  }
0x16: {  	[dreg:$0x9] =	wrdreg s14;
	s14 =	sshrl.u32 s2, $0x3;
	s2 =	smul.u32 $0xA000, s10  }
0x17: {  	s12 =	sadd.s32 $0x2C00, s6;
	s9 =	rddreg [dreg:$0x2];
	s10 =	smul.u32 $0xA000, s15  }
0x18: {  	s13 =	sadd.s32 s7, s13;
	s15 =	smul.u32 $0xA000, s11;
	s19 =	sadd.s32 s3, s9  }
0x19: {  	s3 =	simm.s32 $0x50;
	[dreg:$0xa] =	wrdreg s13;
	s14 =	sadd.s32 s7, s14  }
0x1a: {  	s13 =	sadd.s32 $0x337200, s5;
	s11 =	sshrl.u32 s0, $0x2;
	[dreg:$0xb] =	wrdreg s14  }
0x1b: {  	s14 =	sadd.s32 $0xCA00, s5;
	s5 =	sshrl.u32 s10, $0x2;
	s7 =	sshrl.u32 s2, $0x2  }
0x1c: {  	s6 =	sshrl.u32 s15, $0x2;
	s2 =	smul.u32 $0xA000, s20;
	s10 =	sshrl.u32 s18, $0x2  }
0x1d: {  	s11 =	sadd.s32 s11, s9;
	s18 =	sadd.s32 s28, s9;
	s20 =	sadd.s32 s4, s9  }
0x1e: {  	s4 =	simm.s32 $0x4E20;
	_ =	strace $0x80000047;
	[dreg:$0xc] =	wrdreg s16  }
0x1f: {  	[dreg:$0xd] =	wrdreg s12;
	s16 =	smax.u32 s8, $0x1;
	s5 =	sadd.s32 s5, s9  }
0x20: {  	s7 =	sadd.s32 s7, s9;
	s8 =	sshrl.u32 s17, $0x2;
	s6 =	sadd.s32 s6, s9  }
0x21: {  	s12 =	smul.u32 $0xA000, s21;
	s10 =	sadd.s32 s10, s9;
	s31 =	sshrl.u32 s11, $0x3  }
0x22: {  	s8 =	sadd.s32 s8, s9;
	s17 =	sshrl.u32 s2, $0x2;
	s28 =	sshrl.u32 s6, $0x3  }
0x23: {  	s30 =	sshrl.u32 s10, $0x3;
	s6 =	simm.s32 $0x3;
	s15 =	sadd.s32 s17, s9  }
0x24: {  	s21 =	sshrl.u32 s12, $0x2;
	s17 =	sadd.s32 s26, s9;
	s26 =	sshrl.u32 s7, $0x3  }
0x25: {  	s29 =	sshrl.u32 s8, $0x3;
	s7 =	simm.s32 $0x0;
	s2 =	sadd.s32 s21, s9  }
0x26: {  	s21 =	sadd.s32 s22, s9;
	s22 =	sadd.s32 s23, s9;
	s23 =	sadd.s32 s24, s9  }
0x27: {  	s24 =	sadd.s32 s25, s9;
	s25 =	sshrl.u32 s5, $0x3;
	s8 =	sshrl.u32 s15, $0x3  }
0x28: {  	s5 =	simm.s32 $0x1;
	s0 =	sshrl.u32 @!p0 s2, $0x3;
	s2 =	simm.s32 $0x2  }
.LBB2_1:
0x29: {  	s10 =	rddreg [dreg:$0xd]  }
0x2a: {  	[tilespmem:s1], [sflag:$0x2] =	stream.linear.gather [hbm4b:s10+s1], $0x2710, $0x38;
	[tilespmem:$0x1AEA0] =	vst v63  }
0x2b: {  	_ =	swait.ge [sflag:s2], $0x2710  }
0x2c: {  	[sflag:s2] =	ssyncset.done $0x0  }
0x2d: {  	s11 =	simm.s32 $0x2710;
	s15 =	rddreg [dreg:$0xc];
	[sflag:s2] =	ssyncadd.s32 $0xFFFFD8F0  }
0x2e: {  	[tilespmem:s11], [sflag:$0x2] =	stream.linear.gather [hbm4b:s15+s1], $0x2710, $0x38;
	[tilespmem:$0x1AEA0] =	vst v63  }
0x2f: {  	s11 =	stileid.u32;
	_ =	swait.ge [sflag:s2], $0x2710  }
0x30: {  	s10 =	sshll.u32 s11, $0x6;
	[sflag:s2] =	ssyncset.done $0x0  }
0x31: {  	s10 =	sor.u32 $0x1C02, s10;
	[sflag:s2] =	ssyncadd.s32 $0xFFFFD8F0  }
0x32: {  	[spmem:s25], [sflag:s10] =	dma.local [hbm:s14], $0x500  }
0x33: {  	_ =	swait.ge [sflag:s2], $0x500  }
0x34: {  	[sflag:s2] =	ssyncset.done $0x0  }
0x35: {  	[sflag:s2] =	ssyncadd.s32 $0xFFFFFB00  }
0x36: {  	[spmem:s26], [sflag:s10] =	dma.local [hbm:s14], $0x500  }
0x37: {  	_ =	swait.ge [sflag:s2], $0x500  }
0x38: {  	[sflag:s2] =	ssyncset.done $0x0  }
0x39: {  	[sflag:s2] =	ssyncadd.s32 $0xFFFFFB00  }
0x3a: {  	[spmem:s28], [sflag:s10] =	dma.local [hbm:s14], $0x500  }
0x3b: {  	_ =	swait.ge [sflag:s2], $0x500  }
0x3c: {  	[sflag:s2] =	ssyncset.done $0x0  }
0x3d: {  	[sflag:s2] =	ssyncadd.s32 $0xFFFFFB00  }
0x3e: {  	[spmem:s29], [sflag:s10] =	dma.local [hbm:s14], $0x500  }
0x3f: {  	_ =	swait.ge [sflag:s2], $0x500  }
0x40: {  	[sflag:s2] =	ssyncset.done $0x0  }
0x41: {  	[sflag:s2] =	ssyncadd.s32 $0xFFFFFB00  }
0x42: {  	[spmem:s30], [sflag:s10] =	dma.local [hbm:s14], $0x500  }
0x43: {  	_ =	swait.ge [sflag:s2], $0x500  }
0x44: {  	[sflag:s2] =	ssyncset.done $0x0  }
0x45: {  	[sflag:s2] =	ssyncadd.s32 $0xFFFFFB00  }
0x46: {  	[spmem:s31], [sflag:s10] =	dma.local [hbm:s14], $0x500  }
0x47: {  	_ =	swait.ge [sflag:s2], $0x500  }
0x48: {  	[sflag:s2] =	ssyncset.done $0x0  }
0x49: {  	[sflag:s2] =	ssyncadd.s32 $0xFFFFFB00  }
0x4a: {  	[spmem:s8], [sflag:s10] =	dma.local [hbm:s14], $0x500  }
0x4b: {  	_ =	swait.ge [sflag:s2], $0x500  }
0x4c: {  	[sflag:s2] =	ssyncset.done $0x0  }
0x4d: {  	[sflag:s2] =	ssyncadd.s32 $0xFFFFFB00  }
0x4e: {  	[spmem:s0], [sflag:s10] =	dma.local @!p0 [hbm:s14], $0x500  }
0x4f: {  	s10 =	simm.s32 @!p0 $0x2  }
0x50: {  	_ =	swait.ge @!p0 [sflag:s10], $0x500  }
0x51: {  	[sflag:s10] =	ssyncset.done @!p0 $0x0  }
0x52: {  	[sflag:s10] =	ssyncadd.s32 @!p0 $0xFFFFFB00  }
0x53: {  	s12 =	simm.s32 $0x0;
	[bflag:$0x0] =	sbarrier.arrive $0xFFFF  }
0x54: {  	[tilespmem:s4], [sflag:$0x1] =	stream.indirect.gather [hbm4b:s13+s3], $0x80, s12, s3, $0xb8;
	[tilespmem:$0x1AEA0] =	vst v63  }
0x55: {  	_ =	swait.ge [sflag:s5], $0x2800  }
0x56: {  	[sflag:s5] =	ssyncset.done $0x0  }
0x57: {  	s15 =	simm.s32 $0x2710;
	[sflag:s5] =	ssyncadd.s32 $0xFFFFD800  }
0x58: {  	[spmem:s9] =	stream.indirect.scatter.add.f32 [tilespmem:s4], [sflag:$0x2], $0x80, s15, s3, $0xb8;
	[tilespmem:$0x1AEA0] =	vst v63  }
0x59: {  	_ =	swait.ge [sflag:s2], $0x2800  }
0x5a: {  	s11 =	simm.s32 $0x280;
	s10 =	simm.s32 $0x140;
	[sflag:s2] =	ssyncset.done $0x0  }
.LBB2_2:
0x5b: {  	s12 =	sshra.s32 s10, $0x2  }
0x5c: {  	[sflag:s2] =	ssyncadd.s32 $0xFFFFD800;
	s10 =	smov.u32 s11;
	s15 =	sadd.s32 $0x140, s11  }
0x5d: {  	[tilespmem:s4], [sflag:$0x1] =	stream.indirect.gather [hbm4b:s13+s3], $0x80, s12, s3, $0xb8;
	[tilespmem:$0x1AEA0] =	vst v63  }
0x5e: {  	p1 =	sne.s32 s11, $0x9B00;
	_ =	swait.ge [sflag:s5], $0x2800  }
.Ltmp0:
0x5f: {  	[sflag:s5] =	ssyncset.done $0x0;
	(pc) =	sbr.rel @p1 .LBB2_2-.Ltmp0, $4  }
0x60: {  	s11 =	sadd.s32 $0x2710, s12;
	[sflag:s5] =	ssyncadd.s32 $0xFFFFD800  }
0x61: {  	[spmem:s9] =	stream.indirect.scatter.add.f32 [tilespmem:s4], [sflag:$0x2], $0x80, s11, s3, $0xb8;
	[tilespmem:$0x1AEA0] =	vst v63  }
0x62: {  	_ =	swait.ge [sflag:s2], $0x2800  }
0x63: {  	s11 =	smov.u32 s15;
	[sflag:s2] =	ssyncset.done $0x0  }
0x64: {  	s10 =	sshra.s32 s10, $0x2;
	[sflag:s2] =	ssyncadd.s32 $0xFFFFD800  }
0x65: {  	[tilespmem:s4], [sflag:$0x1] =	stream.indirect.gather [hbm4b:s13+s3], $0x80, s10, s3, $0xb8;
	[tilespmem:$0x1AEA0] =	vst v63  }
0x66: {  	_ =	swait.ge [sflag:s5], $0x2800  }
0x67: {  	[sflag:s5] =	ssyncset.done $0x0  }
0x68: {  	s10 =	sadd.s32 $0x2710, s10;
	[sflag:s5] =	ssyncadd.s32 $0xFFFFD800  }
0x69: {  	[spmem:s9] =	stream.indirect.scatter.add.f32 [tilespmem:s4], [sflag:$0x2], $0x80, s10, s3, $0xb8;
	[tilespmem:$0x1AEA0] =	vst v63  }
0x6a: {  	_ =	swait.ge [sflag:s2], $0x2800  }
0x6b: {  	[sflag:s2] =	ssyncset.done $0x0  }
0x6c: {  	[sflag:s2] =	ssyncadd.s32 $0xFFFFD800  }
0x6d: {  	[bflag:$0x0] =	sbarrier.arrive $0xFFFF  }
0x6e: {  	[tilespmem:s4], [sflag:$0x3] =	stream.linear.gather [spmem:s17], $0x2800, $0x38;
	[tilespmem:$0x1AEA0] =	vst v63  }
0x6f: {  	_ =	swait.ge [sflag:s6], $0x2800  }
0x70: {  	[sflag:s6] =	ssyncset.done $0x0  }
0x71: {  	s15 =	rddreg [dreg:$0x4];
	[sflag:s6] =	ssyncadd.s32 $0xFFFFD800  }
0x72: {  	[hbm4b:s15+s1] =	stream.linear.scatter [tilespmem:s4], [sflag:$0x2], $0x2800, $0x38;
	[tilespmem:$0x1AEA0] =	vst v63  }
0x73: {  	_ =	swait.ge [sflag:s2], $0x2800  }
0x74: {  	[sflag:s2] =	ssyncset.done $0x0  }
0x75: {  	[sflag:s2] =	ssyncadd.s32 $0xFFFFD800  }
0x76: {  	[tilespmem:s4], [sflag:$0x3] =	stream.linear.gather [spmem:s18], $0x2800, $0x38;
	[tilespmem:$0x1AEA0] =	vst v63  }
0x77: {  	_ =	swait.ge [sflag:s6], $0x2800  }
0x78: {  	[sflag:s6] =	ssyncset.done $0x0  }
0x79: {  	s11 =	rddreg [dreg:$0x5];
	[sflag:s6] =	ssyncadd.s32 $0xFFFFD800  }
0x7a: {  	[hbm4b:s11+s1] =	stream.linear.scatter [tilespmem:s4], [sflag:$0x2], $0x2800, $0x38;
	[tilespmem:$0x1AEA0] =	vst v63  }
0x7b: {  	_ =	swait.ge [sflag:s2], $0x2800  }
0x7c: {  	[sflag:s2] =	ssyncset.done $0x0  }
0x7d: {  	[sflag:s2] =	ssyncadd.s32 $0xFFFFD800  }
0x7e: {  	[tilespmem:s4], [sflag:$0x3] =	stream.linear.gather [spmem:s19], $0x2800, $0x38;
	[tilespmem:$0x1AEA0] =	vst v63  }
0x7f: {  	_ =	swait.ge [sflag:s6], $0x2800  }
0x80: {  	[sflag:s6] =	ssyncset.done $0x0  }
0x81: {  	s12 =	rddreg [dreg:$0x6];
	[sflag:s6] =	ssyncadd.s32 $0xFFFFD800  }
0x82: {  	[hbm4b:s12+s1] =	stream.linear.scatter [tilespmem:s4], [sflag:$0x2], $0x2800, $0x38;
	[tilespmem:$0x1AEA0] =	vst v63  }
0x83: {  	_ =	swait.ge [sflag:s2], $0x2800  }
0x84: {  	[sflag:s2] =	ssyncset.done $0x0  }
0x85: {  	[sflag:s2] =	ssyncadd.s32 $0xFFFFD800  }
0x86: {  	[tilespmem:s4], [sflag:$0x3] =	stream.linear.gather [spmem:s20], $0x2800, $0x38;
	[tilespmem:$0x1AEA0] =	vst v63  }
0x87: {  	_ =	swait.ge [sflag:s6], $0x2800  }
0x88: {  	[sflag:s6] =	ssyncset.done $0x0  }
0x89: {  	s15 =	rddreg [dreg:$0x7];
	[sflag:s6] =	ssyncadd.s32 $0xFFFFD800  }
0x8a: {  	[hbm4b:s15+s1] =	stream.linear.scatter [tilespmem:s4], [sflag:$0x2], $0x2800, $0x38;
	[tilespmem:$0x1AEA0] =	vst v63  }
0x8b: {  	_ =	swait.ge [sflag:s2], $0x2800  }
0x8c: {  	[sflag:s2] =	ssyncset.done $0x0  }
0x8d: {  	[sflag:s2] =	ssyncadd.s32 $0xFFFFD800  }
0x8e: {  	[tilespmem:s4], [sflag:$0x3] =	stream.linear.gather [spmem:s21], $0x2800, $0x38;
	[tilespmem:$0x1AEA0] =	vst v63  }
0x8f: {  	_ =	swait.ge [sflag:s6], $0x2800  }
0x90: {  	[sflag:s6] =	ssyncset.done $0x0  }
0x91: {  	s11 =	rddreg [dreg:$0x8];
	[sflag:s6] =	ssyncadd.s32 $0xFFFFD800  }
0x92: {  	[hbm4b:s11+s1] =	stream.linear.scatter [tilespmem:s4], [sflag:$0x2], $0x2800, $0x38;
	[tilespmem:$0x1AEA0] =	vst v63  }
0x93: {  	_ =	swait.ge [sflag:s2], $0x2800  }
0x94: {  	[sflag:s2] =	ssyncset.done $0x0  }
0x95: {  	[sflag:s2] =	ssyncadd.s32 $0xFFFFD800  }
0x96: {  	[tilespmem:s4], [sflag:$0x3] =	stream.linear.gather [spmem:s22], $0x2800, $0x38;
	[tilespmem:$0x1AEA0] =	vst v63  }
0x97: {  	_ =	swait.ge [sflag:s6], $0x2800  }
0x98: {  	[sflag:s6] =	ssyncset.done $0x0  }
0x99: {  	s12 =	rddreg [dreg:$0x9];
	[sflag:s6] =	ssyncadd.s32 $0xFFFFD800  }
0x9a: {  	[hbm4b:s12+s1] =	stream.linear.scatter [tilespmem:s4], [sflag:$0x2], $0x2800, $0x38;
	[tilespmem:$0x1AEA0] =	vst v63  }
0x9b: {  	_ =	swait.ge [sflag:s2], $0x2800  }
0x9c: {  	[sflag:s2] =	ssyncset.done $0x0  }
0x9d: {  	[sflag:s2] =	ssyncadd.s32 $0xFFFFD800  }
0x9e: {  	[tilespmem:s4], [sflag:$0x3] =	stream.linear.gather [spmem:s23], $0x2800, $0x38;
	[tilespmem:$0x1AEA0] =	vst v63  }
0x9f: {  	_ =	swait.ge [sflag:s6], $0x2800  }
0xa0: {  	[sflag:s6] =	ssyncset.done $0x0  }
0xa1: {  	s15 =	rddreg [dreg:$0xa];
	[sflag:s6] =	ssyncadd.s32 $0xFFFFD800  }
0xa2: {  	[hbm4b:s15+s1] =	stream.linear.scatter [tilespmem:s4], [sflag:$0x2], $0x2800, $0x38;
	[tilespmem:$0x1AEA0] =	vst v63  }
0xa3: {  	_ =	swait.ge [sflag:s2], $0x2800  }
0xa4: {  	[sflag:s2] =	ssyncset.done $0x0  }
0xa5: {  	s10 =	simm.s32 @!p0 $0x4E20;
	s11 =	simm.s32 @!p0 $0x3;
	[sflag:s2] =	ssyncadd.s32 $0xFFFFD800  }
0xa6: {  	[tilespmem:s10], [sflag:$0x3] =	stream.linear.gather @!p0 [spmem:s24], $0x2800, $0x38;
	[tilespmem:$0x1AEA0] =	vst v63  }
0xa7: {  	s7 =	sadd.s32 $0x1, s7;
	_ =	swait.ge @!p0 [sflag:s11], $0x2800  }
0xa8: {  	p1 =	sne.s32 s7, s16;
	[sflag:s11] =	ssyncset.done @!p0 $0x0  }
0xa9: {  	s12 =	rddreg [dreg:$0xb];
	[sflag:s11] =	ssyncadd.s32 @!p0 $0xFFFFD800;
	s11 =	simm.s32 @!p0 $0x0  }
0xaa: {  	[hbm4b:s12+s11] =	stream.linear.scatter @!p0 [tilespmem:s10], [sflag:$0x2], $0x2800, $0x38;
	[tilespmem:$0x1AEA0] =	vst v63  }
.Ltmp1:
0xab: {  	_ = 	snop;
	(pc) =	sbr.rel @p1 .LBB2_1-.Ltmp1, $4  }
0xac: {  	s10 =	simm.s32 @!p0 $0x2  }
0xad: {  	_ =	swait.ge @!p0 [sflag:s10], $0x2800  }
0xae: {  	[sflag:s10] =	ssyncset.done @!p0 $0x0  }
0xaf: {  	[sflag:s10] =	ssyncadd.s32 @!p0 $0xFFFFD800  }
0xb0: {  	_ =	sfence.sel $0x180000  }
0xb1: {  	[bflag:$0x0] =	sbarrier.arrive $0xFFFF  }
0xb2: {  	_ =	strace $0x90000047  }
0xb3: {  	s0 =	stileid.u32;
	[bflag:$0x2] =	sbarrier.arrive $0xFFFF  }
0xb4: {  	p0 =	sne.s32 s0, $0x0;
	s0 =	rddreg [dreg:$0x3]  }
0xb5: {  	s0 =	sadd.s32 @!p0 $0x100000, s0  }
0xb6: {  	[sflag:s0] =	ssyncadd.tile.s32 @!p0 $0x1;
	_ =	shalt  }
.Lfunc_end2:
_tile_overlayer_lowered:
.L_overlay_start_2:
0xb7: {  	(tag) =	ssettag $0x2  }
0xb8: {  	s0 =	rddreg [dreg:$0x0];
	s2 =	stileid.u32  }
0xb9: {  	s1 =	rddreg [dreg:$0x1];
	p0 =	sne.s32 s2, $0x0  }
0xba: {  	s3 =	rddreg [dreg:$0x2];
	[bflag:$0x3] =	sbarrier.arrive $0xFFFF;
	s2 =	simm.s32 @!p0 $0x1C02  }
0xbb: {  	[timem:s3], [sflag:s2] =	dma.local @!p0 [hbm:s0], s1  }
0xbc: {  	s0 =	simm.s32 @!p0 $0x2  }
0xbd: {  	_ =	swait.ge @!p0 [sflag:s0], s1  }
0xbe: {  	s1 =	ssub.s32 @!p0 $0x0, s1;
	[sflag:s0] =	ssyncset.done @!p0 $0x0  }
0xbf: {  	[sflag:s0] =	ssyncadd.s32 @!p0 s1  }
0xc0: {  	[bflag:$0x3] =	sbarrier.arrive $0xFFFF  }
0xc1: {  	_ =	shalt  }

// kernel: kernel.14.cloned.1.call-start
scs
__scs_entry_jumppad:
0x0: {  	(pc) =	sbr.rel $0x88, $3  }
0x1: {  	(tag) =	ssettag $0x0;
	lr =	simm.s32 $0x1  }
0x2: {  	[smem:$0x3F95] =	sst lr;
	_ =	strace $0xD0000000  }
0x3: {  	_ = 	snop  }
0x4: {  	_ = 	snop  }
0x5: {  	_ = 	snop  }
0x6: {  	_ = 	snop  }
0x7: {  	_ = 	snop  }
__scs_overlays_trampoline_lowered:
0x8: {  	[smem:$0x3FA4] =	sst s0  }
0x9: {  	[smem:$0x3FA5] =	sst s1  }
0xa: {  	[smem:$0x3FA6] =	sst s2  }
0xb: {  	[smem:$0x3FA7] =	sst s3  }
0xc: {  	[smem:$0x3FA8] =	sst s4  }
0xd: {  	[smem:$0x3FA9] =	sst s5  }
0xe: {  	[smem:$0x3FAA] =	sst s6  }
0xf: {  	[smem:$0x3FAB] =	sst s7  }
0x10: {  	[smem:$0x3FAC] =	sst s8  }
0x11: {  	[smem:$0x3FAD] =	sst s9;
	s0 =	simm.s32 @!p0 $0x0  }
0x12: {  	s1 =	sld [smem:$0x3F93];
	s0 =	simm.s32 @p0 $0x1  }
0x13: {  	[smem:$0x3FAE] =	sst s0;
	s0 =	simm.s32 @!p1 $0x0  }
0x14: {  	s2 =	sld [smem:$0x3F92];
	s0 =	simm.s32 @p1 $0x1  }
0x15: {  	[smem:$0x3FAF] =	sst s0;
	s0 =	simm.s32 @!p2 $0x0  }
0x16: {  	s3 =	sld [smem:$0x3FDB];
	s0 =	simm.s32 @p2 $0x1  }
0x17: {  	s4 =	simm.s32 $0x1BF5;
	[smem:$0x3FB1] =	sst s0  }
0x18: {  	s0 =	sld [smem:$0x3F94];
	_ =	swait.ge [sflag:s4], $0x0  }
0x19: {  	s7 =	sld [smem:$0x3F95]  }
0x1a: {  	s8 =	sadd.s32 $0xFFFFE003, lr  }
0x1b: {  	s9 =	sadd.s32 $0xFFFFFEF7, lr;
	s5 =	simm.s32 $0xFFFFFFFF;
	p2 =	slt.u32 s8, $0xFFFFF086  }
0x1c: {  	p1 =	slt.u32 s9, $0xF7A;
	s5 =	simm.s32 @!p2 $0x0  }
0x1d: {  	s5 =	simm.s32 @p1 $0x1;
	p0 =	seq.s32 s7, s2  }
0x1e: {  	s7 =	smul.u32 @!p0 $0xF7A, s2;
	p2 =	seq.s32 @!p0 s5, $0x0  }
0x1f: {  	s9 =	smul.u32 $0xF7A, s1;
	s8 =	simm.s32 @!p0 $0x1BF5;
	p2 =	por !p2, p0  }
0x20: {  	[sflag:s8] =	ssyncset.s32 @!p0 $0xFFFFF086;
	s6 =	sadd.s32 @!p0 s3, s7;
	s7 =	simm.s32 @!p0 $0x108  }
0x21: {  	s3 =	sadd.s32 s3, s9;
	s6 =	sadd.s32 @!p0 $0x88, s6;
	s7 =	simm.s32 @p2 $0x1082  }
0x22: {  	[simem:s7], [sflag:s8] =	dma.local @!p0 [hbm:s6], $0xF7A  }
0x23: {  	s9 =	sor.u32 $0xD0000000, s2;
	s6 =	simm.s32 $0x108;
	_ =	swait.ge @!p0 [sflag:s8], $0x0  }
0x24: {  	s3 =	sadd.s32 $0x88, s3;
	s6 =	simm.s32 @!p1 $0x1082;
	[sflag:s4] =	ssyncset.s32 $0xFFFFF086  }
0x25: {  	[simem:s6], [sflag:s4] =	dma.local [hbm:s3], $0xF7A  }
0x26: {  	[smem:$0x3F95] =	sst s1;
	(tag) =	ssettag s2;
	_ =	strace s9  }
0x27: {  	s1 =	sld [smem:$0x3FA5]  }
0x28: {  	s2 =	sld [smem:$0x3FA6]  }
0x29: {  	s4 =	sld [smem:$0x3FA8]  }
0x2a: {  	p0 =	seq.s32 s5, $0x0;
	s5 =	sld [smem:$0x3FA9]  }
0x2b: {  	s6 =	sld [smem:$0x3FAA]  }
0x2c: {  	s7 =	sld [smem:$0x3FAB]  }
0x2d: {  	s3 =	simm.s32 $0x108;
	s8 =	sld [smem:$0x3FAC]  }
0x2e: {  	s3 =	simm.s32 @!p0 $0x1082;
	s9 =	sld [smem:$0x3FAD]  }
0x2f: {  	lr =	sadd.s32 s0, s3;
	s0 =	sld [smem:$0x3FA4]  }
0x30: {  	s3 =	sld [smem:$0x3FA7]  }
0x31: {  	[smem:$0x3FB0] =	sst s10  }
0x32: {  	s10 =	sld [smem:$0x3FAE];
	_ =	sdelay $0x3  }
0x33: {  	p0 =	seq.s32 s10, $0x1;
	s10 =	sld [smem:$0x3FB0];
	_ =	sdelay $0x3  }
0x34: {  	[smem:$0x3FB0] =	sst s10  }
0x35: {  	s10 =	sld [smem:$0x3FAF];
	_ =	sdelay $0x3  }
0x36: {  	p1 =	seq.s32 s10, $0x1;
	s10 =	sld [smem:$0x3FB0];
	_ =	sdelay $0x3  }
0x37: {  	[smem:$0x3FB0] =	sst s10  }
0x38: {  	s10 =	sld [smem:$0x3FB1]  }
0x39: {  	_ = 	snop;
	(pc) =	sbr.ind lr, $3  }
0x3a: {  	_ = 	snop  }
0x3b: {  	_ = 	snop  }
0x3c: {  	p2 =	seq.s32 s10, $0x1;
	s10 =	sld [smem:$0x3FB0]  }
0x3d: {  	_ =	shalt  }
0x3e: {  	_ =	shalt  }
0x3f: {  	_ =	shalt  }
0x40: {  	_ =	shalt  }
0x41: {  	_ =	shalt  }
0x42: {  	_ =	shalt  }
0x43: {  	_ =	shalt  }
0x44: {  	_ =	shalt  }
0x45: {  	_ =	shalt  }
0x46: {  	_ =	shalt  }
0x47: {  	_ =	shalt  }
0x48: {  	_ =	shalt  }
0x49: {  	_ =	shalt  }
0x4a: {  	_ =	shalt  }
0x4b: {  	_ =	shalt  }
0x4c: {  	_ =	shalt  }
0x4d: {  	_ =	shalt  }
0x4e: {  	_ =	shalt  }
0x4f: {  	_ =	shalt  }
0x50: {  	_ =	shalt  }
0x51: {  	_ =	shalt  }
0x52: {  	_ =	shalt  }
0x53: {  	_ =	shalt  }
0x54: {  	_ =	shalt  }
0x55: {  	_ =	shalt  }
0x56: {  	_ =	shalt  }
0x57: {  	_ =	shalt  }
0x58: {  	_ =	shalt  }
0x59: {  	_ =	shalt  }
0x5a: {  	_ =	shalt  }
0x5b: {  	_ =	shalt  }
0x5c: {  	_ =	shalt  }
0x5d: {  	_ =	shalt  }
0x5e: {  	_ =	shalt  }
0x5f: {  	_ =	shalt  }
0x60: {  	_ =	shalt  }
0x61: {  	_ =	shalt  }
0x62: {  	_ =	shalt  }
0x63: {  	_ =	shalt  }
0x64: {  	_ =	shalt  }
0x65: {  	_ =	shalt  }
0x66: {  	_ =	shalt  }
0x67: {  	_ =	shalt  }
0x68: {  	_ =	shalt  }
0x69: {  	_ =	shalt  }
0x6a: {  	_ =	shalt  }
0x6b: {  	_ =	shalt  }
0x6c: {  	_ =	shalt  }
0x6d: {  	_ =	shalt  }
0x6e: {  	_ =	shalt  }
0x6f: {  	_ =	shalt  }
0x70: {  	_ =	shalt  }
0x71: {  	_ =	shalt  }
0x72: {  	_ =	shalt  }
0x73: {  	_ =	shalt  }
0x74: {  	_ =	shalt  }
0x75: {  	_ =	shalt  }
0x76: {  	_ =	shalt  }
0x77: {  	_ =	shalt  }
0x78: {  	_ =	shalt  }
0x79: {  	_ =	shalt  }
0x7a: {  	_ =	shalt  }
0x7b: {  	_ =	shalt  }
0x7c: {  	_ =	shalt  }
0x7d: {  	_ =	shalt  }
0x7e: {  	_ =	shalt  }
0x7f: {  	_ =	shalt  }
0x80: {  	_ =	shalt  }
0x81: {  	_ =	shalt  }
0x82: {  	_ =	shalt  }
0x83: {  	_ =	shalt  }
0x84: {  	_ =	shalt  }
0x85: {  	_ =	shalt  }
0x86: {  	_ =	shalt  }
0x87: {  	_ =	shalt  }
.Lfunc_end0:
.L_simem_size_0:
called_computation.1_lowered:
.L_overlay_start_0:
0x88: {  	s2 =	sld [smem:$0x3FD9]  }
0x89: {  	s3 =	sld [smem:$0x3FFE];
	_ =	sdelay $0x1  }
0x8a: {  	s1 =	srdreg.scid  }
0x8b: {  	s0 =	sand.u32 $0x1, s1  }
0x8c: {  	s17 =	sshll.u32 s0, $0xA;
	s2 =	sadd.s32 s3, s2  }
0x8d: {  	s2 =	sadd.s32 s2, s17  }
0x8e: {  	[smem:$0x3FBC] =	sst s2  }
0x8f: {  	_ = 	snop  }
0x90: {  	s2 =	sld [smem:$0x3FD0];
	(tm) =	ssettm $0x1  }
0x91: {  	s18 =	sld [smem:$0x3FFB];
	_ =	sdelay $0x3  }
0x92: {  	_ =	strace s18  }
0x93: {  	s3 =	sld [smem:$0x3FFC];
	_ =	sdelay $0x3  }
0x94: {  	_ =	strace s3  }
0x95: {  	s3 =	sld [smem:$0x3FFD];
	_ =	sdelay $0x3  }
0x96: {  	_ =	strace s3  }
0x97: {  	_ =	strace $0x8FFFFFFF  }
0x98: {  	s19 =	sld [smem:$0x3FDB];
	_ =	sdelay $0x1  }
0x99: {  	s4 =	simm.s32 $_scs_section_size  }
0x9a: {  	s5 =	simm.s32 $_size__tile_overlayer_lowered;
	s6 =	simm.s32 $_tile_overlayer_lowered  }
0x9b: {  	s22 =	simm.s32 $0x1BFF;
	s21 =	sshll.u32 s6, $0x1;
	s3 =	sadd.s32 s4, s19  }
0x9c: {  	s7 =	simm.s32 $0x0;
	s20 =	sshll.u32 s5, $0x1;
	s5 =	sadd.s32 s21, s3  }
0x9d: {  	[timem:s7], [sflag:s22] =	dma.local [hbm:s5], s20  }
0x9e: {  	_ =	swait.ge [sflag:s22], s20  }
0x9f: {  	s4 =	ssub.s32 $0x0, s20;
	[sflag:s22] =	ssyncset.done $0x0  }
0xa0: {  	[sflag:s22] =	ssyncadd.s32 s4;
	_ =	sdelay $0x1  }
0xa1: {  	s23 =	simm.s32 $0x1B8B  }
0xa2: {  	_ =	swait.ge [sflag:s23], $0x1  }
0xa3: {  	[sflag:s23] =	ssyncset.done $0x0  }
0xa4: {  	s25 =	simm.s32 $0x1B8E;
	s24 =	sld [smem:$0x3FFE];
	[sflag:s23] =	ssyncadd.s32 $0xFFFFFFFF  }
0xa5: {  	s26 =	simm.s32 $execute0_lowered;
	[smem:$0x3FD2] =	sst s25  }
0xa6: {  	s5 =	sshll.u32 s26, $0x1;
	_ =	strace $0x80000049;
	[dreg:$0x1] =	wrdreg $0xFFFFFFFF  }
0xa7: {  	s28 =	simm.s32 $_size_execute0_lowered;
	s3 =	sadd.s32 s3, s5;
	[dreg:$0x0] =	wrdreg $0x0  }
0xa8: {  	s5 =	sshll.u32 s28, $0x1;
	[dreg:$0x2] =	wrdreg s3  }
0xa9: {  	[dreg:$0x3] =	wrdreg s5  }
0xaa: {  	[dreg:$0x4] =	wrdreg $0xC0  }
0xab: {  	_ =	task [dreg:s7], $0x5FFFF  }
0xac: {  	[dreg:$0x1] =	wrdreg $0xFFFFFFFF  }
0xad: {  	[dreg:$0x0] =	wrdreg $0x60  }
0xae: {  	[dreg:$0x2] =	wrdreg s24  }
0xaf: {  	[dreg:$0x3] =	wrdreg s2  }
0xb0: {  	[dreg:$0x4] =	wrdreg $0x62200  }
0xb1: {  	[dreg:$0x5] =	wrdreg $0x9  }
0xb2: {  	_ =	task.clear_ibuf [dreg:s7], $0x6FFFF;
	_ =	strace $0x90000049  }
0xb3: {  	s29 =	simm.s32 $0x9;
	_ =	strace $0x8000004B  }
0xb4: {  	_ =	swait.ge [sflag:s29], $0x1  }
0xb5: {  	[sflag:s29] =	ssyncadd.s32 $0xFFFFFFFF  }
0xb6: {  	_ =	strace $0x9000004B  }
0xb7: {  	_ =	sfence  }
0xb8: {  	s30 =	sld [smem:$0x0];
	_ =	sdelay $0x2  }
0xb9: {  	s31 =	sshll.u32 s1, $0xD;
	s1 =	sshrl.u32 s1, $0x2  }
0xba: {  	s3 =	sand.u32 $0x4000, s31;
	s1 =	sadd.s32 s1, s30  }
0xbb: {  	s0 =	sor.u32 s3, s0;
	s1 =	sshll.u32 s1, $0x11  }
0xbc: {  	s0 =	sor.u32 s1, s0  }
0xbd: {  	s0 =	sadd.s32 $0x8F2B, s0  }
0xbe: {  	[sflag:s0] =	ssyncadd.remote.s32 $0x1  }
0xbf: {  	_ =	sfence.sel $0xFFFF  }
0xc0: {  	[dreg:$0x0] =	wrdreg $0xFFFFFFFF;
	(pc) =	sbr.abs _section_cstart, $3  }
0xc1: {  	[dreg:$0x1] =	wrdreg $0xFFFFFFFF  }
0xc2: {  	_ =	task.clear_ibuf [dreg:s7], $0x2FFFF;
	_ =	strace $0x9FFFFFFF  }
0xc3: {  	(tm) =	ssettm $0x7FFFFFFF  }
tec
execute0_lowered:
.L_overlay_start_1:
0x0: {  	(tag) =	ssettag $0x1  }
0x1: {  	s0 =	srdreg.scid;
	s5 =	rddreg [dreg:$0x0]  }
0x2: {  	s1 =	simm.s32 $0x0;
	s15 =	stileid.u32;
	s0 =	sand.u32 $0x1, s0  }
0x3: {  	[smem:$0x7FF] =	sst s1;
	s7 =	sadd.s32 $0xCE00, s5;
	s26 =	smul.u32 $0x1400, s15  }
0x4: {  	s10 =	sor.u32 $0x10, s15;
	s11 =	sor.u32 $0x20, s15;
	s9 =	smul.u32 $0x9C400, s0  }
0x5: {  	s17 =	sor.u32 $0x30, s15;
	s18 =	sor.u32 $0x40, s15;
	s28 =	smul.u32 $0x1400, s10  }
0x6: {  	s19 =	sor.u32 $0x50, s15;
	s20 =	sor.u32 $0x60, s15;
	s22 =	smul.u32 $0x1400, s18  }
0x7: {  	s21 =	sor.u32 $0x70, s15;
	s2 =	sshll.u32 s0, $0x4;
	s23 =	smul.u32 $0x1400, s19  }
0x8: {  	s3 =	ssub.s32 $0x2, s0;
	s18 =	smul.u32 $0x5000, s18;
	s2 =	sor.u32 s15, s2  }
0x9: {  	p0 =	sgt.u32 s21, $0x7C;
	s24 =	sshrl.u32 s3, $0x1;
	s6 =	smul.u32 $0x4E2, s2  }
0xa: {  	s8 =	ssub.s32 s3, s24;
	s4 =	sadd.s32 s9, s26;
	s3 =	smul.u32 $0x1400, s11  }
0xb: {  	s13 =	sadd.s32 s9, s28;
	s12 =	sshrl.u32 s4, $0x3;
	s4 =	smul.u32 $0x1400, s17  }
0xc: {  	s0 =	sshrl.u32 s13, $0x3;
	s17 =	smul.u32 $0x5000, s17;
	s25 =	sadd.s32 s7, s12  }
0xd: {  	s2 =	sadd.s32 s9, s3;
	s16 =	sadd.s32 s7, s0;
	s0 =	sadd.s32 s9, s22  }
0xe: {  	[dreg:$0x4] =	wrdreg s25;
	s14 =	sadd.s32 s9, s4;
	s13 =	sshrl.u32 s2, $0x3  }
0xf: {  	[dreg:$0x5] =	wrdreg s16;
	s2 =	sadd.s32 s9, s23;
	s12 =	sshrl.u32 s0, $0x3  }
0x10: {  	s16 =	rddreg [dreg:$0x1];
	s14 =	sshrl.u32 s14, $0x3;
	s24 =	sadd.s32 s7, s13  }
0x11: {  	s13 =	sshrl.u32 s2, $0x3;
	s12 =	sadd.s32 s7, s12;
	s16 =	sadd.s32 s16, s6  }
0x12: {  	[dreg:$0x6] =	wrdreg s24;
	s25 =	sadd.s32 s7, s14;
	s24 =	smul.u32 $0x1400, s20  }
0x13: {  	s6 =	sadd.s32 s6, s5;
	[dreg:$0x7] =	wrdreg s25;
	s25 =	smul.u32 $0x1400, s21  }
0x14: {  	[dreg:$0x8] =	wrdreg s12;
	s14 =	sadd.s32 s7, s13;
	s0 =	sadd.s32 s9, s24  }
0x15: {  	s2 =	sadd.s32 s9, s25;
	s13 =	sshrl.u32 s0, $0x3;
	s0 =	smul.u32 $0x5000, s19  }
0x16: {  	[dreg:$0x9] =	wrdreg s14;
	s14 =	sshrl.u32 s2, $0x3;
	s2 =	smul.u32 $0x5000, s10  }
0x17: {  	s12 =	sadd.s32 $0x2C00, s6;
	s9 =	rddreg [dreg:$0x2];
	s10 =	smul.u32 $0x5000, s15  }
0x18: {  	s13 =	sadd.s32 s7, s13;
	s15 =	smul.u32 $0x5000, s11;
	s19 =	sadd.s32 s3, s9  }
0x19: {  	s3 =	simm.s32 $0x50;
	[dreg:$0xa] =	wrdreg s13;
	s14 =	sadd.s32 s7, s14  }
0x1a: {  	s13 =	sadd.s32 $0x193400, s5;
	s11 =	sshrl.u32 s0, $0x2;
	[dreg:$0xb] =	wrdreg s14  }
0x1b: {  	s14 =	sadd.s32 $0xCA00, s5;
	s5 =	sshrl.u32 s10, $0x2;
	s7 =	sshrl.u32 s2, $0x2  }
0x1c: {  	s6 =	sshrl.u32 s15, $0x2;
	s2 =	smul.u32 $0x5000, s20;
	s10 =	sshrl.u32 s18, $0x2  }
0x1d: {  	s11 =	sadd.s32 s11, s9;
	s18 =	sadd.s32 s28, s9;
	s20 =	sadd.s32 s4, s9  }
0x1e: {  	s4 =	simm.s32 $0x4E20;
	_ =	strace $0x8000004A;
	[dreg:$0xc] =	wrdreg s16  }
0x1f: {  	[dreg:$0xd] =	wrdreg s12;
	s16 =	smax.u32 s8, $0x1;
	s5 =	sadd.s32 s5, s9  }
0x20: {  	s7 =	sadd.s32 s7, s9;
	s8 =	sshrl.u32 s17, $0x2;
	s6 =	sadd.s32 s6, s9  }
0x21: {  	s12 =	smul.u32 $0x5000, s21;
	s10 =	sadd.s32 s10, s9;
	s31 =	sshrl.u32 s11, $0x3  }
0x22: {  	s8 =	sadd.s32 s8, s9;
	s17 =	sshrl.u32 s2, $0x2;
	s28 =	sshrl.u32 s6, $0x3  }
0x23: {  	s30 =	sshrl.u32 s10, $0x3;
	s6 =	simm.s32 $0x3;
	s15 =	sadd.s32 s17, s9  }
0x24: {  	s21 =	sshrl.u32 s12, $0x2;
	s17 =	sadd.s32 s26, s9;
	s26 =	sshrl.u32 s7, $0x3  }
0x25: {  	s29 =	sshrl.u32 s8, $0x3;
	s7 =	simm.s32 $0x0;
	s2 =	sadd.s32 s21, s9  }
0x26: {  	s21 =	sadd.s32 s22, s9;
	s22 =	sadd.s32 s23, s9;
	s23 =	sadd.s32 s24, s9  }
0x27: {  	s24 =	sadd.s32 s25, s9;
	s25 =	sshrl.u32 s5, $0x3;
	s8 =	sshrl.u32 s15, $0x3  }
0x28: {  	s5 =	simm.s32 $0x1;
	s0 =	sshrl.u32 @!p0 s2, $0x3;
	s2 =	simm.s32 $0x2  }
.LBB2_1:
0x29: {  	s10 =	rddreg [dreg:$0xd]  }
0x2a: {  	[tilespmem:s1], [sflag:$0x2] =	stream.linear.gather [hbm4b:s10+s1], $0x2710, $0x38;
	[tilespmem:$0xFE60] =	vst v63  }
0x2b: {  	_ =	swait.ge [sflag:s2], $0x2710  }
0x2c: {  	[sflag:s2] =	ssyncset.done $0x0  }
0x2d: {  	s11 =	simm.s32 $0x2710;
	s15 =	rddreg [dreg:$0xc];
	[sflag:s2] =	ssyncadd.s32 $0xFFFFD8F0  }
0x2e: {  	[tilespmem:s11], [sflag:$0x2] =	stream.linear.gather [hbm4b:s15+s1], $0x2710, $0x38;
	[tilespmem:$0xFE60] =	vst v63  }
0x2f: {  	s11 =	stileid.u32;
	_ =	swait.ge [sflag:s2], $0x2710  }
0x30: {  	s10 =	sshll.u32 s11, $0x6;
	[sflag:s2] =	ssyncset.done $0x0  }
0x31: {  	s10 =	sor.u32 $0x1C02, s10;
	[sflag:s2] =	ssyncadd.s32 $0xFFFFD8F0  }
0x32: {  	[spmem:s25], [sflag:s10] =	dma.local [hbm:s14], $0x280  }
0x33: {  	_ =	swait.ge [sflag:s2], $0x280  }
0x34: {  	[sflag:s2] =	ssyncset.done $0x0  }
0x35: {  	[sflag:s2] =	ssyncadd.s32 $0xFFFFFD80  }
0x36: {  	[spmem:s26], [sflag:s10] =	dma.local [hbm:s14], $0x280  }
0x37: {  	_ =	swait.ge [sflag:s2], $0x280  }
0x38: {  	[sflag:s2] =	ssyncset.done $0x0  }
0x39: {  	[sflag:s2] =	ssyncadd.s32 $0xFFFFFD80  }
0x3a: {  	[spmem:s28], [sflag:s10] =	dma.local [hbm:s14], $0x280  }
0x3b: {  	_ =	swait.ge [sflag:s2], $0x280  }
0x3c: {  	[sflag:s2] =	ssyncset.done $0x0  }
0x3d: {  	[sflag:s2] =	ssyncadd.s32 $0xFFFFFD80  }
0x3e: {  	[spmem:s29], [sflag:s10] =	dma.local [hbm:s14], $0x280  }
0x3f: {  	_ =	swait.ge [sflag:s2], $0x280  }
0x40: {  	[sflag:s2] =	ssyncset.done $0x0  }
0x41: {  	[sflag:s2] =	ssyncadd.s32 $0xFFFFFD80  }
0x42: {  	[spmem:s30], [sflag:s10] =	dma.local [hbm:s14], $0x280  }
0x43: {  	_ =	swait.ge [sflag:s2], $0x280  }
0x44: {  	[sflag:s2] =	ssyncset.done $0x0  }
0x45: {  	[sflag:s2] =	ssyncadd.s32 $0xFFFFFD80  }
0x46: {  	[spmem:s31], [sflag:s10] =	dma.local [hbm:s14], $0x280  }
0x47: {  	_ =	swait.ge [sflag:s2], $0x280  }
0x48: {  	[sflag:s2] =	ssyncset.done $0x0  }
0x49: {  	[sflag:s2] =	ssyncadd.s32 $0xFFFFFD80  }
0x4a: {  	[spmem:s8], [sflag:s10] =	dma.local [hbm:s14], $0x280  }
0x4b: {  	_ =	swait.ge [sflag:s2], $0x280  }
0x4c: {  	[sflag:s2] =	ssyncset.done $0x0  }
0x4d: {  	[sflag:s2] =	ssyncadd.s32 $0xFFFFFD80  }
0x4e: {  	[spmem:s0], [sflag:s10] =	dma.local @!p0 [hbm:s14], $0x280  }
0x4f: {  	s10 =	simm.s32 @!p0 $0x2  }
0x50: {  	_ =	swait.ge @!p0 [sflag:s10], $0x280  }
0x51: {  	[sflag:s10] =	ssyncset.done @!p0 $0x0  }
0x52: {  	[sflag:s10] =	ssyncadd.s32 @!p0 $0xFFFFFD80  }
0x53: {  	s12 =	simm.s32 $0x0;
	[bflag:$0x0] =	sbarrier.arrive $0xFFFF  }
0x54: {  	[tilespmem:s4], [sflag:$0x1] =	stream.indirect.gather [hbm4b:s13+s3], $0x40, s12, s3, $0xb8;
	[tilespmem:$0xFE60] =	vst v63  }
0x55: {  	_ =	swait.ge [sflag:s5], $0x1400  }
0x56: {  	[sflag:s5] =	ssyncset.done $0x0  }
0x57: {  	s15 =	simm.s32 $0x2710;
	[sflag:s5] =	ssyncadd.s32 $0xFFFFEC00  }
0x58: {  	[spmem:s9] =	stream.indirect.scatter.add.f32 [tilespmem:s4], [sflag:$0x2], $0x40, s15, s3, $0xb8;
	[tilespmem:$0xFE60] =	vst v63  }
0x59: {  	_ =	swait.ge [sflag:s2], $0x1400  }
0x5a: {  	s11 =	simm.s32 $0x280;
	s10 =	simm.s32 $0x140;
	[sflag:s2] =	ssyncset.done $0x0  }
.LBB2_2:
0x5b: {  	s12 =	sshra.s32 s10, $0x2  }
0x5c: {  	[sflag:s2] =	ssyncadd.s32 $0xFFFFEC00;
	s10 =	smov.u32 s11;
	s15 =	sadd.s32 $0x140, s11  }
0x5d: {  	[tilespmem:s4], [sflag:$0x1] =	stream.indirect.gather [hbm4b:s13+s3], $0x40, s12, s3, $0xb8;
	[tilespmem:$0xFE60] =	vst v63  }
0x5e: {  	p1 =	sne.s32 s11, $0x9B00;
	_ =	swait.ge [sflag:s5], $0x1400  }
.Ltmp0:
0x5f: {  	[sflag:s5] =	ssyncset.done $0x0;
	(pc) =	sbr.rel @p1 .LBB2_2-.Ltmp0, $4  }
0x60: {  	s11 =	sadd.s32 $0x2710, s12;
	[sflag:s5] =	ssyncadd.s32 $0xFFFFEC00  }
0x61: {  	[spmem:s9] =	stream.indirect.scatter.add.f32 [tilespmem:s4], [sflag:$0x2], $0x40, s11, s3, $0xb8;
	[tilespmem:$0xFE60] =	vst v63  }
0x62: {  	_ =	swait.ge [sflag:s2], $0x1400  }
0x63: {  	s11 =	smov.u32 s15;
	[sflag:s2] =	ssyncset.done $0x0  }
0x64: {  	s10 =	sshra.s32 s10, $0x2;
	[sflag:s2] =	ssyncadd.s32 $0xFFFFEC00  }
0x65: {  	[tilespmem:s4], [sflag:$0x1] =	stream.indirect.gather [hbm4b:s13+s3], $0x40, s10, s3, $0xb8;
	[tilespmem:$0xFE60] =	vst v63  }
0x66: {  	_ =	swait.ge [sflag:s5], $0x1400  }
0x67: {  	[sflag:s5] =	ssyncset.done $0x0  }
0x68: {  	s10 =	sadd.s32 $0x2710, s10;
	[sflag:s5] =	ssyncadd.s32 $0xFFFFEC00  }
0x69: {  	[spmem:s9] =	stream.indirect.scatter.add.f32 [tilespmem:s4], [sflag:$0x2], $0x40, s10, s3, $0xb8;
	[tilespmem:$0xFE60] =	vst v63  }
0x6a: {  	_ =	swait.ge [sflag:s2], $0x1400  }
0x6b: {  	[sflag:s2] =	ssyncset.done $0x0  }
0x6c: {  	[sflag:s2] =	ssyncadd.s32 $0xFFFFEC00  }
0x6d: {  	[bflag:$0x0] =	sbarrier.arrive $0xFFFF  }
0x6e: {  	[tilespmem:s4], [sflag:$0x3] =	stream.linear.gather [spmem:s17], $0x1400, $0x38;
	[tilespmem:$0xFE60] =	vst v63  }
0x6f: {  	_ =	swait.ge [sflag:s6], $0x1400  }
0x70: {  	[sflag:s6] =	ssyncset.done $0x0  }
0x71: {  	s15 =	rddreg [dreg:$0x4];
	[sflag:s6] =	ssyncadd.s32 $0xFFFFEC00  }
0x72: {  	[hbm4b:s15+s1] =	stream.linear.scatter [tilespmem:s4], [sflag:$0x2], $0x1400, $0x38;
	[tilespmem:$0xFE60] =	vst v63  }
0x73: {  	_ =	swait.ge [sflag:s2], $0x1400  }
0x74: {  	[sflag:s2] =	ssyncset.done $0x0  }
0x75: {  	[sflag:s2] =	ssyncadd.s32 $0xFFFFEC00  }
0x76: {  	[tilespmem:s4], [sflag:$0x3] =	stream.linear.gather [spmem:s18], $0x1400, $0x38;
	[tilespmem:$0xFE60] =	vst v63  }
0x77: {  	_ =	swait.ge [sflag:s6], $0x1400  }
0x78: {  	[sflag:s6] =	ssyncset.done $0x0  }
0x79: {  	s11 =	rddreg [dreg:$0x5];
	[sflag:s6] =	ssyncadd.s32 $0xFFFFEC00  }
0x7a: {  	[hbm4b:s11+s1] =	stream.linear.scatter [tilespmem:s4], [sflag:$0x2], $0x1400, $0x38;
	[tilespmem:$0xFE60] =	vst v63  }
0x7b: {  	_ =	swait.ge [sflag:s2], $0x1400  }
0x7c: {  	[sflag:s2] =	ssyncset.done $0x0  }
0x7d: {  	[sflag:s2] =	ssyncadd.s32 $0xFFFFEC00  }
0x7e: {  	[tilespmem:s4], [sflag:$0x3] =	stream.linear.gather [spmem:s19], $0x1400, $0x38;
	[tilespmem:$0xFE60] =	vst v63  }
0x7f: {  	_ =	swait.ge [sflag:s6], $0x1400  }
0x80: {  	[sflag:s6] =	ssyncset.done $0x0  }
0x81: {  	s12 =	rddreg [dreg:$0x6];
	[sflag:s6] =	ssyncadd.s32 $0xFFFFEC00  }
0x82: {  	[hbm4b:s12+s1] =	stream.linear.scatter [tilespmem:s4], [sflag:$0x2], $0x1400, $0x38;
	[tilespmem:$0xFE60] =	vst v63  }
0x83: {  	_ =	swait.ge [sflag:s2], $0x1400  }
0x84: {  	[sflag:s2] =	ssyncset.done $0x0  }
0x85: {  	[sflag:s2] =	ssyncadd.s32 $0xFFFFEC00  }
0x86: {  	[tilespmem:s4], [sflag:$0x3] =	stream.linear.gather [spmem:s20], $0x1400, $0x38;
	[tilespmem:$0xFE60] =	vst v63  }
0x87: {  	_ =	swait.ge [sflag:s6], $0x1400  }
0x88: {  	[sflag:s6] =	ssyncset.done $0x0  }
0x89: {  	s15 =	rddreg [dreg:$0x7];
	[sflag:s6] =	ssyncadd.s32 $0xFFFFEC00  }
0x8a: {  	[hbm4b:s15+s1] =	stream.linear.scatter [tilespmem:s4], [sflag:$0x2], $0x1400, $0x38;
	[tilespmem:$0xFE60] =	vst v63  }
0x8b: {  	_ =	swait.ge [sflag:s2], $0x1400  }
0x8c: {  	[sflag:s2] =	ssyncset.done $0x0  }
0x8d: {  	[sflag:s2] =	ssyncadd.s32 $0xFFFFEC00  }
0x8e: {  	[tilespmem:s4], [sflag:$0x3] =	stream.linear.gather [spmem:s21], $0x1400, $0x38;
	[tilespmem:$0xFE60] =	vst v63  }
0x8f: {  	_ =	swait.ge [sflag:s6], $0x1400  }
0x90: {  	[sflag:s6] =	ssyncset.done $0x0  }
0x91: {  	s11 =	rddreg [dreg:$0x8];
	[sflag:s6] =	ssyncadd.s32 $0xFFFFEC00  }
0x92: {  	[hbm4b:s11+s1] =	stream.linear.scatter [tilespmem:s4], [sflag:$0x2], $0x1400, $0x38;
	[tilespmem:$0xFE60] =	vst v63  }
0x93: {  	_ =	swait.ge [sflag:s2], $0x1400  }
0x94: {  	[sflag:s2] =	ssyncset.done $0x0  }
0x95: {  	[sflag:s2] =	ssyncadd.s32 $0xFFFFEC00  }
0x96: {  	[tilespmem:s4], [sflag:$0x3] =	stream.linear.gather [spmem:s22], $0x1400, $0x38;
	[tilespmem:$0xFE60] =	vst v63  }
0x97: {  	_ =	swait.ge [sflag:s6], $0x1400  }
0x98: {  	[sflag:s6] =	ssyncset.done $0x0  }
0x99: {  	s12 =	rddreg [dreg:$0x9];
	[sflag:s6] =	ssyncadd.s32 $0xFFFFEC00  }
0x9a: {  	[hbm4b:s12+s1] =	stream.linear.scatter [tilespmem:s4], [sflag:$0x2], $0x1400, $0x38;
	[tilespmem:$0xFE60] =	vst v63  }
0x9b: {  	_ =	swait.ge [sflag:s2], $0x1400  }
0x9c: {  	[sflag:s2] =	ssyncset.done $0x0  }
0x9d: {  	[sflag:s2] =	ssyncadd.s32 $0xFFFFEC00  }
0x9e: {  	[tilespmem:s4], [sflag:$0x3] =	stream.linear.gather [spmem:s23], $0x1400, $0x38;
	[tilespmem:$0xFE60] =	vst v63  }
0x9f: {  	_ =	swait.ge [sflag:s6], $0x1400  }
0xa0: {  	[sflag:s6] =	ssyncset.done $0x0  }
0xa1: {  	s15 =	rddreg [dreg:$0xa];
	[sflag:s6] =	ssyncadd.s32 $0xFFFFEC00  }
0xa2: {  	[hbm4b:s15+s1] =	stream.linear.scatter [tilespmem:s4], [sflag:$0x2], $0x1400, $0x38;
	[tilespmem:$0xFE60] =	vst v63  }
0xa3: {  	_ =	swait.ge [sflag:s2], $0x1400  }
0xa4: {  	[sflag:s2] =	ssyncset.done $0x0  }
0xa5: {  	s10 =	simm.s32 @!p0 $0x4E20;
	s11 =	simm.s32 @!p0 $0x3;
	[sflag:s2] =	ssyncadd.s32 $0xFFFFEC00  }
0xa6: {  	[tilespmem:s10], [sflag:$0x3] =	stream.linear.gather @!p0 [spmem:s24], $0x1400, $0x38;
	[tilespmem:$0xFE60] =	vst v63  }
0xa7: {  	s7 =	sadd.s32 $0x1, s7;
	_ =	swait.ge @!p0 [sflag:s11], $0x1400  }
0xa8: {  	p1 =	sne.s32 s7, s16;
	[sflag:s11] =	ssyncset.done @!p0 $0x0  }
0xa9: {  	s12 =	rddreg [dreg:$0xb];
	[sflag:s11] =	ssyncadd.s32 @!p0 $0xFFFFEC00;
	s11 =	simm.s32 @!p0 $0x0  }
0xaa: {  	[hbm4b:s12+s11] =	stream.linear.scatter @!p0 [tilespmem:s10], [sflag:$0x2], $0x1400, $0x38;
	[tilespmem:$0xFE60] =	vst v63  }
.Ltmp1:
0xab: {  	_ = 	snop;
	(pc) =	sbr.rel @p1 .LBB2_1-.Ltmp1, $4  }
0xac: {  	s10 =	simm.s32 @!p0 $0x2  }
0xad: {  	_ =	swait.ge @!p0 [sflag:s10], $0x1400  }
0xae: {  	[sflag:s10] =	ssyncset.done @!p0 $0x0  }
0xaf: {  	[sflag:s10] =	ssyncadd.s32 @!p0 $0xFFFFEC00  }
0xb0: {  	_ =	sfence.sel $0x180000  }
0xb1: {  	[bflag:$0x0] =	sbarrier.arrive $0xFFFF  }
0xb2: {  	_ =	strace $0x9000004A  }
0xb3: {  	s0 =	stileid.u32;
	[bflag:$0x2] =	sbarrier.arrive $0xFFFF  }
0xb4: {  	p0 =	sne.s32 s0, $0x0;
	s0 =	rddreg [dreg:$0x3]  }
0xb5: {  	s0 =	sadd.s32 @!p0 $0x100000, s0  }
0xb6: {  	[sflag:s0] =	ssyncadd.tile.s32 @!p0 $0x1;
	_ =	shalt  }
.Lfunc_end2:
_tile_overlayer_lowered:
.L_overlay_start_2:
0xb7: {  	(tag) =	ssettag $0x2  }
0xb8: {  	s0 =	rddreg [dreg:$0x0];
	s2 =	stileid.u32  }
0xb9: {  	s1 =	rddreg [dreg:$0x1];
	p0 =	sne.s32 s2, $0x0  }
0xba: {  	s3 =	rddreg [dreg:$0x2];
	[bflag:$0x3] =	sbarrier.arrive $0xFFFF;
	s2 =	simm.s32 @!p0 $0x1C02  }
0xbb: {  	[timem:s3], [sflag:s2] =	dma.local @!p0 [hbm:s0], s1  }
0xbc: {  	s0 =	simm.s32 @!p0 $0x2  }
0xbd: {  	_ =	swait.ge @!p0 [sflag:s0], s1  }
0xbe: {  	s1 =	ssub.s32 @!p0 $0x0, s1;
	[sflag:s0] =	ssyncset.done @!p0 $0x0  }
0xbf: {  	[sflag:s0] =	ssyncadd.s32 @!p0 s1  }
0xc0: {  	[bflag:$0x3] =	sbarrier.arrive $0xFFFF  }
0xc1: {  	_ =	shalt  }

// kernel: kernel.17.cloned.1.call-start
scs
__scs_entry_jumppad:
0x0: {  	(pc) =	sbr.rel $0x88, $3  }
0x1: {  	(tag) =	ssettag $0x0;
	lr =	simm.s32 $0x1  }
0x2: {  	[smem:$0x3F95] =	sst lr;
	_ =	strace $0xD0000000  }
0x3: {  	_ = 	snop  }
0x4: {  	_ = 	snop  }
0x5: {  	_ = 	snop  }
0x6: {  	_ = 	snop  }
0x7: {  	_ = 	snop  }
__scs_overlays_trampoline_lowered:
0x8: {  	[smem:$0x3FA4] =	sst s0  }
0x9: {  	[smem:$0x3FA5] =	sst s1  }
0xa: {  	[smem:$0x3FA6] =	sst s2  }
0xb: {  	[smem:$0x3FA7] =	sst s3  }
0xc: {  	[smem:$0x3FA8] =	sst s4  }
0xd: {  	[smem:$0x3FA9] =	sst s5  }
0xe: {  	[smem:$0x3FAA] =	sst s6  }
0xf: {  	[smem:$0x3FAB] =	sst s7  }
0x10: {  	[smem:$0x3FAC] =	sst s8  }
0x11: {  	[smem:$0x3FAD] =	sst s9;
	s0 =	simm.s32 @!p0 $0x0  }
0x12: {  	s1 =	sld [smem:$0x3F93];
	s0 =	simm.s32 @p0 $0x1  }
0x13: {  	[smem:$0x3FAE] =	sst s0;
	s0 =	simm.s32 @!p1 $0x0  }
0x14: {  	s2 =	sld [smem:$0x3F92];
	s0 =	simm.s32 @p1 $0x1  }
0x15: {  	[smem:$0x3FAF] =	sst s0;
	s0 =	simm.s32 @!p2 $0x0  }
0x16: {  	s3 =	sld [smem:$0x3FDB];
	s0 =	simm.s32 @p2 $0x1  }
0x17: {  	s4 =	simm.s32 $0x1BF5;
	[smem:$0x3FB1] =	sst s0  }
0x18: {  	s0 =	sld [smem:$0x3F94];
	_ =	swait.ge [sflag:s4], $0x0  }
0x19: {  	s7 =	sld [smem:$0x3F95]  }
0x1a: {  	s8 =	sadd.s32 $0xFFFFE003, lr  }
0x1b: {  	s9 =	sadd.s32 $0xFFFFFEF7, lr;
	s5 =	simm.s32 $0xFFFFFFFF;
	p2 =	slt.u32 s8, $0xFFFFF086  }
0x1c: {  	p1 =	slt.u32 s9, $0xF7A;
	s5 =	simm.s32 @!p2 $0x0  }
0x1d: {  	s5 =	simm.s32 @p1 $0x1;
	p0 =	seq.s32 s7, s2  }
0x1e: {  	s7 =	smul.u32 @!p0 $0xF7A, s2;
	p2 =	seq.s32 @!p0 s5, $0x0  }
0x1f: {  	s9 =	smul.u32 $0xF7A, s1;
	s8 =	simm.s32 @!p0 $0x1BF5;
	p2 =	por !p2, p0  }
0x20: {  	[sflag:s8] =	ssyncset.s32 @!p0 $0xFFFFF086;
	s6 =	sadd.s32 @!p0 s3, s7;
	s7 =	simm.s32 @!p0 $0x108  }
0x21: {  	s3 =	sadd.s32 s3, s9;
	s6 =	sadd.s32 @!p0 $0x88, s6;
	s7 =	simm.s32 @p2 $0x1082  }
0x22: {  	[simem:s7], [sflag:s8] =	dma.local @!p0 [hbm:s6], $0xF7A  }
0x23: {  	s9 =	sor.u32 $0xD0000000, s2;
	s6 =	simm.s32 $0x108;
	_ =	swait.ge @!p0 [sflag:s8], $0x0  }
0x24: {  	s3 =	sadd.s32 $0x88, s3;
	s6 =	simm.s32 @!p1 $0x1082;
	[sflag:s4] =	ssyncset.s32 $0xFFFFF086  }
0x25: {  	[simem:s6], [sflag:s4] =	dma.local [hbm:s3], $0xF7A  }
0x26: {  	[smem:$0x3F95] =	sst s1;
	(tag) =	ssettag s2;
	_ =	strace s9  }
0x27: {  	s1 =	sld [smem:$0x3FA5]  }
0x28: {  	s2 =	sld [smem:$0x3FA6]  }
0x29: {  	s4 =	sld [smem:$0x3FA8]  }
0x2a: {  	p0 =	seq.s32 s5, $0x0;
	s5 =	sld [smem:$0x3FA9]  }
0x2b: {  	s6 =	sld [smem:$0x3FAA]  }
0x2c: {  	s7 =	sld [smem:$0x3FAB]  }
0x2d: {  	s3 =	simm.s32 $0x108;
	s8 =	sld [smem:$0x3FAC]  }
0x2e: {  	s3 =	simm.s32 @!p0 $0x1082;
	s9 =	sld [smem:$0x3FAD]  }
0x2f: {  	lr =	sadd.s32 s0, s3;
	s0 =	sld [smem:$0x3FA4]  }
0x30: {  	s3 =	sld [smem:$0x3FA7]  }
0x31: {  	[smem:$0x3FB0] =	sst s10  }
0x32: {  	s10 =	sld [smem:$0x3FAE];
	_ =	sdelay $0x3  }
0x33: {  	p0 =	seq.s32 s10, $0x1;
	s10 =	sld [smem:$0x3FB0];
	_ =	sdelay $0x3  }
0x34: {  	[smem:$0x3FB0] =	sst s10  }
0x35: {  	s10 =	sld [smem:$0x3FAF];
	_ =	sdelay $0x3  }
0x36: {  	p1 =	seq.s32 s10, $0x1;
	s10 =	sld [smem:$0x3FB0];
	_ =	sdelay $0x3  }
0x37: {  	[smem:$0x3FB0] =	sst s10  }
0x38: {  	s10 =	sld [smem:$0x3FB1]  }
0x39: {  	_ = 	snop;
	(pc) =	sbr.ind lr, $3  }
0x3a: {  	_ = 	snop  }
0x3b: {  	_ = 	snop  }
0x3c: {  	p2 =	seq.s32 s10, $0x1;
	s10 =	sld [smem:$0x3FB0]  }
0x3d: {  	_ =	shalt  }
0x3e: {  	_ =	shalt  }
0x3f: {  	_ =	shalt  }
0x40: {  	_ =	shalt  }
0x41: {  	_ =	shalt  }
0x42: {  	_ =	shalt  }
0x43: {  	_ =	shalt  }
0x44: {  	_ =	shalt  }
0x45: {  	_ =	shalt  }
0x46: {  	_ =	shalt  }
0x47: {  	_ =	shalt  }
0x48: {  	_ =	shalt  }
0x49: {  	_ =	shalt  }
0x4a: {  	_ =	shalt  }
0x4b: {  	_ =	shalt  }
0x4c: {  	_ =	shalt  }
0x4d: {  	_ =	shalt  }
0x4e: {  	_ =	shalt  }
0x4f: {  	_ =	shalt  }
0x50: {  	_ =	shalt  }
0x51: {  	_ =	shalt  }
0x52: {  	_ =	shalt  }
0x53: {  	_ =	shalt  }
0x54: {  	_ =	shalt  }
0x55: {  	_ =	shalt  }
0x56: {  	_ =	shalt  }
0x57: {  	_ =	shalt  }
0x58: {  	_ =	shalt  }
0x59: {  	_ =	shalt  }
0x5a: {  	_ =	shalt  }
0x5b: {  	_ =	shalt  }
0x5c: {  	_ =	shalt  }
0x5d: {  	_ =	shalt  }
0x5e: {  	_ =	shalt  }
0x5f: {  	_ =	shalt  }
0x60: {  	_ =	shalt  }
0x61: {  	_ =	shalt  }
0x62: {  	_ =	shalt  }
0x63: {  	_ =	shalt  }
0x64: {  	_ =	shalt  }
0x65: {  	_ =	shalt  }
0x66: {  	_ =	shalt  }
0x67: {  	_ =	shalt  }
0x68: {  	_ =	shalt  }
0x69: {  	_ =	shalt  }
0x6a: {  	_ =	shalt  }
0x6b: {  	_ =	shalt  }
0x6c: {  	_ =	shalt  }
0x6d: {  	_ =	shalt  }
0x6e: {  	_ =	shalt  }
0x6f: {  	_ =	shalt  }
0x70: {  	_ =	shalt  }
0x71: {  	_ =	shalt  }
0x72: {  	_ =	shalt  }
0x73: {  	_ =	shalt  }
0x74: {  	_ =	shalt  }
0x75: {  	_ =	shalt  }
0x76: {  	_ =	shalt  }
0x77: {  	_ =	shalt  }
0x78: {  	_ =	shalt  }
0x79: {  	_ =	shalt  }
0x7a: {  	_ =	shalt  }
0x7b: {  	_ =	shalt  }
0x7c: {  	_ =	shalt  }
0x7d: {  	_ =	shalt  }
0x7e: {  	_ =	shalt  }
0x7f: {  	_ =	shalt  }
0x80: {  	_ =	shalt  }
0x81: {  	_ =	shalt  }
0x82: {  	_ =	shalt  }
0x83: {  	_ =	shalt  }
0x84: {  	_ =	shalt  }
0x85: {  	_ =	shalt  }
0x86: {  	_ =	shalt  }
0x87: {  	_ =	shalt  }
.Lfunc_end0:
.L_simem_size_0:
called_computation.2_lowered:
.L_overlay_start_0:
0x88: {  	s2 =	sld [smem:$0x3FD9]  }
0x89: {  	s3 =	sld [smem:$0x3FFE];
	_ =	sdelay $0x1  }
0x8a: {  	s1 =	srdreg.scid  }
0x8b: {  	s0 =	sand.u32 $0x1, s1  }
0x8c: {  	s17 =	sshll.u32 s0, $0xA;
	s2 =	sadd.s32 s3, s2  }
0x8d: {  	s2 =	sadd.s32 s2, s17  }
0x8e: {  	[smem:$0x3FBC] =	sst s2  }
0x8f: {  	_ = 	snop  }
0x90: {  	s2 =	sld [smem:$0x3FD0];
	(tm) =	ssettm $0x1  }
0x91: {  	s18 =	sld [smem:$0x3FFB];
	_ =	sdelay $0x3  }
0x92: {  	_ =	strace s18  }
0x93: {  	s3 =	sld [smem:$0x3FFC];
	_ =	sdelay $0x3  }
0x94: {  	_ =	strace s3  }
0x95: {  	s3 =	sld [smem:$0x3FFD];
	_ =	sdelay $0x3  }
0x96: {  	_ =	strace s3  }
0x97: {  	_ =	strace $0x8FFFFFFF  }
0x98: {  	s19 =	sld [smem:$0x3FDB];
	_ =	sdelay $0x1  }
0x99: {  	s4 =	simm.s32 $_scs_section_size  }
0x9a: {  	s5 =	simm.s32 $_size__tile_overlayer_lowered;
	s6 =	simm.s32 $_tile_overlayer_lowered  }
0x9b: {  	s22 =	simm.s32 $0x1BFF;
	s21 =	sshll.u32 s6, $0x1;
	s3 =	sadd.s32 s4, s19  }
0x9c: {  	s7 =	simm.s32 $0x0;
	s20 =	sshll.u32 s5, $0x1;
	s5 =	sadd.s32 s21, s3  }
0x9d: {  	[timem:s7], [sflag:s22] =	dma.local [hbm:s5], s20  }
0x9e: {  	_ =	swait.ge [sflag:s22], s20  }
0x9f: {  	s4 =	ssub.s32 $0x0, s20;
	[sflag:s22] =	ssyncset.done $0x0  }
0xa0: {  	[sflag:s22] =	ssyncadd.s32 s4;
	_ =	sdelay $0x1  }
0xa1: {  	s23 =	simm.s32 $0x1B8B  }
0xa2: {  	_ =	swait.ge [sflag:s23], $0x1  }
0xa3: {  	[sflag:s23] =	ssyncset.done $0x0  }
0xa4: {  	s25 =	simm.s32 $0x1B8E;
	s24 =	sld [smem:$0x3FFE];
	[sflag:s23] =	ssyncadd.s32 $0xFFFFFFFF  }
0xa5: {  	s26 =	simm.s32 $execute0_lowered;
	[smem:$0x3FD2] =	sst s25  }
0xa6: {  	s5 =	sshll.u32 s26, $0x1;
	_ =	strace $0x8000004C;
	[dreg:$0x1] =	wrdreg $0xFFFFFFFF  }
0xa7: {  	s28 =	simm.s32 $_size_execute0_lowered;
	s3 =	sadd.s32 s3, s5;
	[dreg:$0x0] =	wrdreg $0x0  }
0xa8: {  	s5 =	sshll.u32 s28, $0x1;
	[dreg:$0x2] =	wrdreg s3  }
0xa9: {  	[dreg:$0x3] =	wrdreg s5  }
0xaa: {  	[dreg:$0x4] =	wrdreg $0xC0  }
0xab: {  	_ =	task [dreg:s7], $0x5FFFF  }
0xac: {  	[dreg:$0x1] =	wrdreg $0xFFFFFFFF  }
0xad: {  	[dreg:$0x0] =	wrdreg $0x60  }
0xae: {  	[dreg:$0x2] =	wrdreg s24  }
0xaf: {  	[dreg:$0x3] =	wrdreg s2  }
0xb0: {  	[dreg:$0x4] =	wrdreg $0x58200  }
0xb1: {  	[dreg:$0x5] =	wrdreg $0x9  }
0xb2: {  	_ =	task.clear_ibuf [dreg:s7], $0x6FFFF;
	_ =	strace $0x9000004C  }
0xb3: {  	s29 =	simm.s32 $0x9;
	_ =	strace $0x8000004E  }
0xb4: {  	_ =	swait.ge [sflag:s29], $0x1  }
0xb5: {  	[sflag:s29] =	ssyncadd.s32 $0xFFFFFFFF  }
0xb6: {  	_ =	strace $0x9000004E  }
0xb7: {  	_ =	sfence  }
0xb8: {  	s30 =	sld [smem:$0x0];
	_ =	sdelay $0x2  }
0xb9: {  	s31 =	sshll.u32 s1, $0xD;
	s1 =	sshrl.u32 s1, $0x2  }
0xba: {  	s3 =	sand.u32 $0x4000, s31;
	s1 =	sadd.s32 s1, s30  }
0xbb: {  	s0 =	sor.u32 s3, s0;
	s1 =	sshll.u32 s1, $0x11  }
0xbc: {  	s0 =	sor.u32 s1, s0  }
0xbd: {  	s0 =	sadd.s32 $0x8F2B, s0  }
0xbe: {  	[sflag:s0] =	ssyncadd.remote.s32 $0x1  }
0xbf: {  	_ =	sfence.sel $0xFFFF  }
0xc0: {  	[dreg:$0x0] =	wrdreg $0xFFFFFFFF;
	(pc) =	sbr.abs _section_cstart, $3  }
0xc1: {  	[dreg:$0x1] =	wrdreg $0xFFFFFFFF  }
0xc2: {  	_ =	task.clear_ibuf [dreg:s7], $0x2FFFF;
	_ =	strace $0x9FFFFFFF  }
0xc3: {  	(tm) =	ssettm $0x7FFFFFFF  }
tec
execute0_lowered:
.L_overlay_start_1:
0x0: {  	(tag) =	ssettag $0x1  }
0x1: {  	s0 =	srdreg.scid;
	s5 =	rddreg [dreg:$0x0]  }
0x2: {  	s1 =	simm.s32 $0x0;
	s15 =	stileid.u32;
	s0 =	sand.u32 $0x1, s0  }
0x3: {  	[smem:$0x7FF] =	sst s1;
	s7 =	sadd.s32 $0xCC00, s5;
	s26 =	smul.u32 $0xA00, s15  }
0x4: {  	s10 =	sor.u32 $0x10, s15;
	s11 =	sor.u32 $0x20, s15;
	s9 =	smul.u32 $0x4E200, s0  }
0x5: {  	s17 =	sor.u32 $0x30, s15;
	s18 =	sor.u32 $0x40, s15;
	s28 =	smul.u32 $0xA00, s10  }
0x6: {  	s19 =	sor.u32 $0x50, s15;
	s20 =	sor.u32 $0x60, s15;
	s22 =	smul.u32 $0xA00, s18  }
0x7: {  	s21 =	sor.u32 $0x70, s15;
	s2 =	sshll.u32 s0, $0x4;
	s23 =	smul.u32 $0xA00, s19  }
0x8: {  	s3 =	ssub.s32 $0x2, s0;
	s18 =	smul.u32 $0x2800, s18;
	s2 =	sor.u32 s15, s2  }
0x9: {  	p0 =	sgt.u32 s21, $0x7C;
	s24 =	sshrl.u32 s3, $0x1;
	s6 =	smul.u32 $0x4E2, s2  }
0xa: {  	s8 =	ssub.s32 s3, s24;
	s4 =	sadd.s32 s9, s26;
	s3 =	smul.u32 $0xA00, s11  }
0xb: {  	s13 =	sadd.s32 s9, s28;
	s12 =	sshrl.u32 s4, $0x3;
	s4 =	smul.u32 $0xA00, s17  }
0xc: {  	s0 =	sshrl.u32 s13, $0x3;
	s17 =	smul.u32 $0x2800, s17;
	s25 =	sadd.s32 s7, s12  }
0xd: {  	s2 =	sadd.s32 s9, s3;
	s16 =	sadd.s32 s7, s0;
	s0 =	sadd.s32 s9, s22  }
0xe: {  	[dreg:$0x4] =	wrdreg s25;
	s14 =	sadd.s32 s9, s4;
	s13 =	sshrl.u32 s2, $0x3  }
0xf: {  	[dreg:$0x5] =	wrdreg s16;
	s2 =	sadd.s32 s9, s23;
	s12 =	sshrl.u32 s0, $0x3  }
0x10: {  	s16 =	rddreg [dreg:$0x1];
	s14 =	sshrl.u32 s14, $0x3;
	s24 =	sadd.s32 s7, s13  }
0x11: {  	s13 =	sshrl.u32 s2, $0x3;
	s12 =	sadd.s32 s7, s12;
	s16 =	sadd.s32 s16, s6  }
0x12: {  	[dreg:$0x6] =	wrdreg s24;
	s25 =	sadd.s32 s7, s14;
	s24 =	smul.u32 $0xA00, s20  }
0x13: {  	s6 =	sadd.s32 s6, s5;
	[dreg:$0x7] =	wrdreg s25;
	s25 =	smul.u32 $0xA00, s21  }
0x14: {  	[dreg:$0x8] =	wrdreg s12;
	s14 =	sadd.s32 s7, s13;
	s0 =	sadd.s32 s9, s24  }
0x15: {  	s2 =	sadd.s32 s9, s25;
	s13 =	sshrl.u32 s0, $0x3;
	s0 =	smul.u32 $0x2800, s19  }
0x16: {  	[dreg:$0x9] =	wrdreg s14;
	s14 =	sshrl.u32 s2, $0x3;
	s2 =	smul.u32 $0x2800, s10  }
0x17: {  	s12 =	sadd.s32 $0x2C00, s6;
	s9 =	rddreg [dreg:$0x2];
	s10 =	smul.u32 $0x2800, s15  }
0x18: {  	s13 =	sadd.s32 s7, s13;
	s15 =	smul.u32 $0x2800, s11;
	s19 =	sadd.s32 s3, s9  }
0x19: {  	s3 =	simm.s32 $0x50;
	[dreg:$0xa] =	wrdreg s13;
	s14 =	sadd.s32 s7, s14  }
0x1a: {  	s13 =	sadd.s32 $0xD0000, s5;
	s11 =	sshrl.u32 s0, $0x2;
	[dreg:$0xb] =	wrdreg s14  }
0x1b: {  	s14 =	sadd.s32 $0xCA00, s5;
	s5 =	sshrl.u32 s10, $0x2;
	s7 =	sshrl.u32 s2, $0x2  }
0x1c: {  	s6 =	sshrl.u32 s15, $0x2;
	s2 =	smul.u32 $0x2800, s20;
	s10 =	sshrl.u32 s18, $0x2  }
0x1d: {  	s11 =	sadd.s32 s11, s9;
	s18 =	sadd.s32 s28, s9;
	s20 =	sadd.s32 s4, s9  }
0x1e: {  	s4 =	simm.s32 $0x4E20;
	_ =	strace $0x8000004D;
	[dreg:$0xc] =	wrdreg s16  }
0x1f: {  	[dreg:$0xd] =	wrdreg s12;
	s16 =	smax.u32 s8, $0x1;
	s5 =	sadd.s32 s5, s9  }
0x20: {  	s7 =	sadd.s32 s7, s9;
	s8 =	sshrl.u32 s17, $0x2;
	s6 =	sadd.s32 s6, s9  }
0x21: {  	s12 =	smul.u32 $0x2800, s21;
	s10 =	sadd.s32 s10, s9;
	s31 =	sshrl.u32 s11, $0x3  }
0x22: {  	s8 =	sadd.s32 s8, s9;
	s17 =	sshrl.u32 s2, $0x2;
	s28 =	sshrl.u32 s6, $0x3  }
0x23: {  	s30 =	sshrl.u32 s10, $0x3;
	s6 =	simm.s32 $0x3;
	s15 =	sadd.s32 s17, s9  }
0x24: {  	s21 =	sshrl.u32 s12, $0x2;
	s17 =	sadd.s32 s26, s9;
	s26 =	sshrl.u32 s7, $0x3  }
0x25: {  	s29 =	sshrl.u32 s8, $0x3;
	s7 =	simm.s32 $0x0;
	s2 =	sadd.s32 s21, s9  }
0x26: {  	s21 =	sadd.s32 s22, s9;
	s22 =	sadd.s32 s23, s9;
	s23 =	sadd.s32 s24, s9  }
0x27: {  	s24 =	sadd.s32 s25, s9;
	s25 =	sshrl.u32 s5, $0x3;
	s8 =	sshrl.u32 s15, $0x3  }
0x28: {  	s5 =	simm.s32 $0x1;
	s0 =	sshrl.u32 @!p0 s2, $0x3;
	s2 =	simm.s32 $0x2  }
.LBB2_1:
0x29: {  	s10 =	rddreg [dreg:$0xd]  }
0x2a: {  	[tilespmem:s1], [sflag:$0x2] =	stream.linear.gather [hbm4b:s10+s1], $0x2710, $0x38;
	[tilespmem:$0xA640] =	vst v63  }
0x2b: {  	_ =	swait.ge [sflag:s2], $0x2710  }
0x2c: {  	[sflag:s2] =	ssyncset.done $0x0  }
0x2d: {  	s11 =	simm.s32 $0x2710;
	s15 =	rddreg [dreg:$0xc];
	[sflag:s2] =	ssyncadd.s32 $0xFFFFD8F0  }
0x2e: {  	[tilespmem:s11], [sflag:$0x2] =	stream.linear.gather [hbm4b:s15+s1], $0x2710, $0x38;
	[tilespmem:$0xA640] =	vst v63  }
0x2f: {  	s11 =	stileid.u32;
	_ =	swait.ge [sflag:s2], $0x2710  }
0x30: {  	s10 =	sshll.u32 s11, $0x6;
	[sflag:s2] =	ssyncset.done $0x0  }
0x31: {  	s10 =	sor.u32 $0x1C02, s10;
	[sflag:s2] =	ssyncadd.s32 $0xFFFFD8F0  }
0x32: {  	[spmem:s25], [sflag:s10] =	dma.local [hbm:s14], $0x140  }
0x33: {  	_ =	swait.ge [sflag:s2], $0x140  }
0x34: {  	[sflag:s2] =	ssyncset.done $0x0  }
0x35: {  	[sflag:s2] =	ssyncadd.s32 $0xFFFFFEC0  }
0x36: {  	[spmem:s26], [sflag:s10] =	dma.local [hbm:s14], $0x140  }
0x37: {  	_ =	swait.ge [sflag:s2], $0x140  }
0x38: {  	[sflag:s2] =	ssyncset.done $0x0  }
0x39: {  	[sflag:s2] =	ssyncadd.s32 $0xFFFFFEC0  }
0x3a: {  	[spmem:s28], [sflag:s10] =	dma.local [hbm:s14], $0x140  }
0x3b: {  	_ =	swait.ge [sflag:s2], $0x140  }
0x3c: {  	[sflag:s2] =	ssyncset.done $0x0  }
0x3d: {  	[sflag:s2] =	ssyncadd.s32 $0xFFFFFEC0  }
0x3e: {  	[spmem:s29], [sflag:s10] =	dma.local [hbm:s14], $0x140  }
0x3f: {  	_ =	swait.ge [sflag:s2], $0x140  }
0x40: {  	[sflag:s2] =	ssyncset.done $0x0  }
0x41: {  	[sflag:s2] =	ssyncadd.s32 $0xFFFFFEC0  }
0x42: {  	[spmem:s30], [sflag:s10] =	dma.local [hbm:s14], $0x140  }
0x43: {  	_ =	swait.ge [sflag:s2], $0x140  }
0x44: {  	[sflag:s2] =	ssyncset.done $0x0  }
0x45: {  	[sflag:s2] =	ssyncadd.s32 $0xFFFFFEC0  }
0x46: {  	[spmem:s31], [sflag:s10] =	dma.local [hbm:s14], $0x140  }
0x47: {  	_ =	swait.ge [sflag:s2], $0x140  }
0x48: {  	[sflag:s2] =	ssyncset.done $0x0  }
0x49: {  	[sflag:s2] =	ssyncadd.s32 $0xFFFFFEC0  }
0x4a: {  	[spmem:s8], [sflag:s10] =	dma.local [hbm:s14], $0x140  }
0x4b: {  	_ =	swait.ge [sflag:s2], $0x140  }
0x4c: {  	[sflag:s2] =	ssyncset.done $0x0  }
0x4d: {  	[sflag:s2] =	ssyncadd.s32 $0xFFFFFEC0  }
0x4e: {  	[spmem:s0], [sflag:s10] =	dma.local @!p0 [hbm:s14], $0x140  }
0x4f: {  	s10 =	simm.s32 @!p0 $0x2  }
0x50: {  	_ =	swait.ge @!p0 [sflag:s10], $0x140  }
0x51: {  	[sflag:s10] =	ssyncset.done @!p0 $0x0  }
0x52: {  	[sflag:s10] =	ssyncadd.s32 @!p0 $0xFFFFFEC0  }
0x53: {  	s12 =	simm.s32 $0x0;
	[bflag:$0x0] =	sbarrier.arrive $0xFFFF  }
0x54: {  	[tilespmem:s4], [sflag:$0x1] =	stream.indirect.gather [hbm4b:s13+s3], $0x20, s12, s3, $0xb8;
	[tilespmem:$0xA640] =	vst v63  }
0x55: {  	_ =	swait.ge [sflag:s5], $0xA00  }
0x56: {  	[sflag:s5] =	ssyncset.done $0x0  }
0x57: {  	s15 =	simm.s32 $0x2710;
	[sflag:s5] =	ssyncadd.s32 $0xFFFFF600  }
0x58: {  	[spmem:s9] =	stream.indirect.scatter.add.f32 [tilespmem:s4], [sflag:$0x2], $0x20, s15, s3, $0xb8;
	[tilespmem:$0xA640] =	vst v63  }
0x59: {  	_ =	swait.ge [sflag:s2], $0xA00  }
0x5a: {  	s11 =	simm.s32 $0x280;
	s10 =	simm.s32 $0x140;
	[sflag:s2] =	ssyncset.done $0x0  }
.LBB2_2:
0x5b: {  	s12 =	sshra.s32 s10, $0x2  }
0x5c: {  	[sflag:s2] =	ssyncadd.s32 $0xFFFFF600;
	s10 =	smov.u32 s11;
	s15 =	sadd.s32 $0x140, s11  }
0x5d: {  	[tilespmem:s4], [sflag:$0x1] =	stream.indirect.gather [hbm4b:s13+s3], $0x20, s12, s3, $0xb8;
	[tilespmem:$0xA640] =	vst v63  }
0x5e: {  	p1 =	sne.s32 s11, $0x9B00;
	_ =	swait.ge [sflag:s5], $0xA00  }
.Ltmp0:
0x5f: {  	[sflag:s5] =	ssyncset.done $0x0;
	(pc) =	sbr.rel @p1 .LBB2_2-.Ltmp0, $4  }
0x60: {  	s11 =	sadd.s32 $0x2710, s12;
	[sflag:s5] =	ssyncadd.s32 $0xFFFFF600  }
0x61: {  	[spmem:s9] =	stream.indirect.scatter.add.f32 [tilespmem:s4], [sflag:$0x2], $0x20, s11, s3, $0xb8;
	[tilespmem:$0xA640] =	vst v63  }
0x62: {  	_ =	swait.ge [sflag:s2], $0xA00  }
0x63: {  	s11 =	smov.u32 s15;
	[sflag:s2] =	ssyncset.done $0x0  }
0x64: {  	s10 =	sshra.s32 s10, $0x2;
	[sflag:s2] =	ssyncadd.s32 $0xFFFFF600  }
0x65: {  	[tilespmem:s4], [sflag:$0x1] =	stream.indirect.gather [hbm4b:s13+s3], $0x20, s10, s3, $0xb8;
	[tilespmem:$0xA640] =	vst v63  }
0x66: {  	_ =	swait.ge [sflag:s5], $0xA00  }
0x67: {  	[sflag:s5] =	ssyncset.done $0x0  }
0x68: {  	s10 =	sadd.s32 $0x2710, s10;
	[sflag:s5] =	ssyncadd.s32 $0xFFFFF600  }
0x69: {  	[spmem:s9] =	stream.indirect.scatter.add.f32 [tilespmem:s4], [sflag:$0x2], $0x20, s10, s3, $0xb8;
	[tilespmem:$0xA640] =	vst v63  }
0x6a: {  	_ =	swait.ge [sflag:s2], $0xA00  }
0x6b: {  	[sflag:s2] =	ssyncset.done $0x0  }
0x6c: {  	[sflag:s2] =	ssyncadd.s32 $0xFFFFF600  }
0x6d: {  	[bflag:$0x0] =	sbarrier.arrive $0xFFFF  }
0x6e: {  	[tilespmem:s4], [sflag:$0x3] =	stream.linear.gather [spmem:s17], $0xA00, $0x38;
	[tilespmem:$0xA640] =	vst v63  }
0x6f: {  	_ =	swait.ge [sflag:s6], $0xA00  }
0x70: {  	[sflag:s6] =	ssyncset.done $0x0  }
0x71: {  	s15 =	rddreg [dreg:$0x4];
	[sflag:s6] =	ssyncadd.s32 $0xFFFFF600  }
0x72: {  	[hbm4b:s15+s1] =	stream.linear.scatter [tilespmem:s4], [sflag:$0x2], $0xA00, $0x38;
	[tilespmem:$0xA640] =	vst v63  }
0x73: {  	_ =	swait.ge [sflag:s2], $0xA00  }
0x74: {  	[sflag:s2] =	ssyncset.done $0x0  }
0x75: {  	[sflag:s2] =	ssyncadd.s32 $0xFFFFF600  }
0x76: {  	[tilespmem:s4], [sflag:$0x3] =	stream.linear.gather [spmem:s18], $0xA00, $0x38;
	[tilespmem:$0xA640] =	vst v63  }
0x77: {  	_ =	swait.ge [sflag:s6], $0xA00  }
0x78: {  	[sflag:s6] =	ssyncset.done $0x0  }
0x79: {  	s11 =	rddreg [dreg:$0x5];
	[sflag:s6] =	ssyncadd.s32 $0xFFFFF600  }
0x7a: {  	[hbm4b:s11+s1] =	stream.linear.scatter [tilespmem:s4], [sflag:$0x2], $0xA00, $0x38;
	[tilespmem:$0xA640] =	vst v63  }
0x7b: {  	_ =	swait.ge [sflag:s2], $0xA00  }
0x7c: {  	[sflag:s2] =	ssyncset.done $0x0  }
0x7d: {  	[sflag:s2] =	ssyncadd.s32 $0xFFFFF600  }
0x7e: {  	[tilespmem:s4], [sflag:$0x3] =	stream.linear.gather [spmem:s19], $0xA00, $0x38;
	[tilespmem:$0xA640] =	vst v63  }
0x7f: {  	_ =	swait.ge [sflag:s6], $0xA00  }
0x80: {  	[sflag:s6] =	ssyncset.done $0x0  }
0x81: {  	s12 =	rddreg [dreg:$0x6];
	[sflag:s6] =	ssyncadd.s32 $0xFFFFF600  }
0x82: {  	[hbm4b:s12+s1] =	stream.linear.scatter [tilespmem:s4], [sflag:$0x2], $0xA00, $0x38;
	[tilespmem:$0xA640] =	vst v63  }
0x83: {  	_ =	swait.ge [sflag:s2], $0xA00  }
0x84: {  	[sflag:s2] =	ssyncset.done $0x0  }
0x85: {  	[sflag:s2] =	ssyncadd.s32 $0xFFFFF600  }
0x86: {  	[tilespmem:s4], [sflag:$0x3] =	stream.linear.gather [spmem:s20], $0xA00, $0x38;
	[tilespmem:$0xA640] =	vst v63  }
0x87: {  	_ =	swait.ge [sflag:s6], $0xA00  }
0x88: {  	[sflag:s6] =	ssyncset.done $0x0  }
0x89: {  	s15 =	rddreg [dreg:$0x7];
	[sflag:s6] =	ssyncadd.s32 $0xFFFFF600  }
0x8a: {  	[hbm4b:s15+s1] =	stream.linear.scatter [tilespmem:s4], [sflag:$0x2], $0xA00, $0x38;
	[tilespmem:$0xA640] =	vst v63  }
0x8b: {  	_ =	swait.ge [sflag:s2], $0xA00  }
0x8c: {  	[sflag:s2] =	ssyncset.done $0x0  }
0x8d: {  	[sflag:s2] =	ssyncadd.s32 $0xFFFFF600  }
0x8e: {  	[tilespmem:s4], [sflag:$0x3] =	stream.linear.gather [spmem:s21], $0xA00, $0x38;
	[tilespmem:$0xA640] =	vst v63  }
0x8f: {  	_ =	swait.ge [sflag:s6], $0xA00  }
0x90: {  	[sflag:s6] =	ssyncset.done $0x0  }
0x91: {  	s11 =	rddreg [dreg:$0x8];
	[sflag:s6] =	ssyncadd.s32 $0xFFFFF600  }
0x92: {  	[hbm4b:s11+s1] =	stream.linear.scatter [tilespmem:s4], [sflag:$0x2], $0xA00, $0x38;
	[tilespmem:$0xA640] =	vst v63  }
0x93: {  	_ =	swait.ge [sflag:s2], $0xA00  }
0x94: {  	[sflag:s2] =	ssyncset.done $0x0  }
0x95: {  	[sflag:s2] =	ssyncadd.s32 $0xFFFFF600  }
0x96: {  	[tilespmem:s4], [sflag:$0x3] =	stream.linear.gather [spmem:s22], $0xA00, $0x38;
	[tilespmem:$0xA640] =	vst v63  }
0x97: {  	_ =	swait.ge [sflag:s6], $0xA00  }
0x98: {  	[sflag:s6] =	ssyncset.done $0x0  }
0x99: {  	s12 =	rddreg [dreg:$0x9];
	[sflag:s6] =	ssyncadd.s32 $0xFFFFF600  }
0x9a: {  	[hbm4b:s12+s1] =	stream.linear.scatter [tilespmem:s4], [sflag:$0x2], $0xA00, $0x38;
	[tilespmem:$0xA640] =	vst v63  }
0x9b: {  	_ =	swait.ge [sflag:s2], $0xA00  }
0x9c: {  	[sflag:s2] =	ssyncset.done $0x0  }
0x9d: {  	[sflag:s2] =	ssyncadd.s32 $0xFFFFF600  }
0x9e: {  	[tilespmem:s4], [sflag:$0x3] =	stream.linear.gather [spmem:s23], $0xA00, $0x38;
	[tilespmem:$0xA640] =	vst v63  }
0x9f: {  	_ =	swait.ge [sflag:s6], $0xA00  }
0xa0: {  	[sflag:s6] =	ssyncset.done $0x0  }
0xa1: {  	s15 =	rddreg [dreg:$0xa];
	[sflag:s6] =	ssyncadd.s32 $0xFFFFF600  }
0xa2: {  	[hbm4b:s15+s1] =	stream.linear.scatter [tilespmem:s4], [sflag:$0x2], $0xA00, $0x38;
	[tilespmem:$0xA640] =	vst v63  }
0xa3: {  	_ =	swait.ge [sflag:s2], $0xA00  }
0xa4: {  	[sflag:s2] =	ssyncset.done $0x0  }
0xa5: {  	s10 =	simm.s32 @!p0 $0x4E20;
	s11 =	simm.s32 @!p0 $0x3;
	[sflag:s2] =	ssyncadd.s32 $0xFFFFF600  }
0xa6: {  	[tilespmem:s10], [sflag:$0x3] =	stream.linear.gather @!p0 [spmem:s24], $0xA00, $0x38;
	[tilespmem:$0xA640] =	vst v63  }
0xa7: {  	s7 =	sadd.s32 $0x1, s7;
	_ =	swait.ge @!p0 [sflag:s11], $0xA00  }
0xa8: {  	p1 =	sne.s32 s7, s16;
	[sflag:s11] =	ssyncset.done @!p0 $0x0  }
0xa9: {  	s12 =	rddreg [dreg:$0xb];
	[sflag:s11] =	ssyncadd.s32 @!p0 $0xFFFFF600;
	s11 =	simm.s32 @!p0 $0x0  }
0xaa: {  	[hbm4b:s12+s11] =	stream.linear.scatter @!p0 [tilespmem:s10], [sflag:$0x2], $0xA00, $0x38;
	[tilespmem:$0xA640] =	vst v63  }
.Ltmp1:
0xab: {  	_ = 	snop;
	(pc) =	sbr.rel @p1 .LBB2_1-.Ltmp1, $4  }
0xac: {  	s10 =	simm.s32 @!p0 $0x2  }
0xad: {  	_ =	swait.ge @!p0 [sflag:s10], $0xA00  }
0xae: {  	[sflag:s10] =	ssyncset.done @!p0 $0x0  }
0xaf: {  	[sflag:s10] =	ssyncadd.s32 @!p0 $0xFFFFF600  }
0xb0: {  	_ =	sfence.sel $0x180000  }
0xb1: {  	[bflag:$0x0] =	sbarrier.arrive $0xFFFF  }
0xb2: {  	_ =	strace $0x9000004D  }
0xb3: {  	s0 =	stileid.u32;
	[bflag:$0x2] =	sbarrier.arrive $0xFFFF  }
0xb4: {  	p0 =	sne.s32 s0, $0x0;
	s0 =	rddreg [dreg:$0x3]  }
0xb5: {  	s0 =	sadd.s32 @!p0 $0x100000, s0  }
0xb6: {  	[sflag:s0] =	ssyncadd.tile.s32 @!p0 $0x1;
	_ =	shalt  }
.Lfunc_end2:
_tile_overlayer_lowered:
.L_overlay_start_2:
0xb7: {  	(tag) =	ssettag $0x2  }
0xb8: {  	s0 =	rddreg [dreg:$0x0];
	s2 =	stileid.u32  }
0xb9: {  	s1 =	rddreg [dreg:$0x1];
	p0 =	sne.s32 s2, $0x0  }
0xba: {  	s3 =	rddreg [dreg:$0x2];
	[bflag:$0x3] =	sbarrier.arrive $0xFFFF;
	s2 =	simm.s32 @!p0 $0x1C02  }
0xbb: {  	[timem:s3], [sflag:s2] =	dma.local @!p0 [hbm:s0], s1  }
0xbc: {  	s0 =	simm.s32 @!p0 $0x2  }
0xbd: {  	_ =	swait.ge @!p0 [sflag:s0], s1  }
0xbe: {  	s1 =	ssub.s32 @!p0 $0x0, s1;
	[sflag:s0] =	ssyncset.done @!p0 $0x0  }
0xbf: {  	[sflag:s0] =	ssyncadd.s32 @!p0 s1  }
0xc0: {  	[bflag:$0x3] =	sbarrier.arrive $0xFFFF  }
0xc1: {  	_ =	shalt  }

</sc_bundles>
